<compile_context>
chip_gen: v7x
topology: tpu7x:2x2x1
jax: 0.10.2.dev20260603
libtpu: 0.0.44.dev20260713+nightly
codegen_flags: <defaults>
</compile_context>

<pallas_src>
import functools
import jax
import jax.numpy as jnp
from jax import lax
from jax.experimental import pallas as pl
from jax.experimental.pallas import tpu as pltpu
from jax.experimental.pallas import tpu_sc as plsc

NUM_TYPES = 32
DIM = 128
REP = 16


@functools.lru_cache(maxsize=None)
def _make_sc_broadcast(batch):
    info = plsc.get_sparse_core_info()
    nc, ns = info.num_cores, info.num_subcores
    nw = nc * ns
    rows_per_w = batch // nw
    steps = rows_per_w // REP
    assert rows_per_w % REP == 0 and batch % nw == 0

    mesh = plsc.VectorSubcoreMesh(core_axis_name="c", subcore_axis_name="s")

    @functools.partial(
        pl.kernel,
        mesh=mesh,
        out_type=jax.ShapeDtypeStruct((batch, NUM_TYPES, DIM), jnp.float32),
        scratch_types=[
            pltpu.VMEM((REP, NUM_TYPES, DIM), jnp.float32),
            pltpu.SemaphoreType.DMA,
            pltpu.SemaphoreType.DMA,
        ],
    )
    def _sc_broadcast(table_hbm, out_hbm, buf, stage_sem, out_sem):
        wid = lax.axis_index("s") * nc + lax.axis_index("c")
        base = wid * rows_per_w
        stage = [
            pltpu.async_copy(table_hbm, buf.at[r], stage_sem) for r in range(REP)
        ]
        for c in stage:
            c.wait()
        copies = [
            pltpu.async_copy(buf, out_hbm.at[pl.ds(base + j * REP, REP)], out_sem)
            for j in range(steps)
        ]
        for c in copies:
            c.wait()

    return _sc_broadcast


def kernel(action_mask, table):
    batch = action_mask.shape[0]
    return _make_sc_broadcast(batch)(table)

# --- scband reference (transcript-rebuilt; emitter-appended) ---
"""Pipeline reference for scband-vectorized-embedding-84413287236436 (READ-ONLY COPY).

The authoritative reference and input builder live on the scoring server;
editing this copy changes nothing except your own understanding.
"""

import jax, jax.numpy as jnp
import numpy as np

BATCH = 16384
DIM_EMBEDDING = 128
NUM_TYPES = 32


def setup_inputs(seed: int = 0) -> dict:
    key = jax.random.key(seed)
    k1, k2 = jax.random.split(key)
    # The torch module receives a dict `state`; only state['action_mask'] is used,
    # and only for its batch dimension / device. We pass it directly as a tensor.
    action_mask = jax.random.normal(k1, (BATCH, 64), dtype=jnp.float32)
    # nn.Embedding(32, dim_embedding) weight, N(0,1) init like torch default
    table = jax.random.normal(k2, (NUM_TYPES, DIM_EMBEDDING), dtype=jnp.float32)
    return {"action_mask": action_mask, "table": table}


def reference(action_mask, table):
    batch_size = action_mask.shape[0]
    # indices[:, j] = j for j in 0..31 (each column filled with its state-type id)
    indices = jnp.tile(jnp.arange(NUM_TYPES, dtype=jnp.int32)[None, :], (batch_size, 1))
    # embedding lookup -> [batch, 32, dim_embedding]
    return jnp.take(table, indices, axis=0)

if __name__ == "__main__":
    import jax
    _d = setup_inputs()
    print(jax.jit(kernel)(*tuple(_d.values())))

</pallas_src>

<mosaic_0001>
#map = affine_map<(d0, d1) -> (0, 0)>
#map1 = affine_map<(d0, d1) -> (0, 0, 0)>
module attributes {stable_mosaic.version = 14 : i64} {
  func.func @_sc_broadcast(%arg0: i32, %arg1: i32, %arg2: memref<32x128xf32, #tpu.memory_space<hbm>>, %arg3: memref<16384x32x128xf32, #tpu.memory_space<hbm>>, %arg4: memref<16x32x128xf32, #tpu.memory_space<vmem>>, %arg5: memref<!tpu.dma_semaphore, #tpu.memory_space<semaphore_mem>>, %arg6: memref<!tpu.dma_semaphore, #tpu.memory_space<semaphore_mem>>) attributes {dimension_semantics = [#tpu.dimension_semantics<core_parallel>, #tpu.dimension_semantics<subcore_parallel>], iteration_bounds = array<i64: 2, 16>, scalar_prefetch = 0 : i64, scratch_operands = 3 : i64, tpu.core_type = #tpu.core_type<sc_vector_subcore>, window_params = [{transform_indices = #map}, {transform_indices = #map1}]} {
    %mul3A = arith.constant 2 : i32
    %mul3A_0 = arith.muli %arg1, %mul3A : i32
    %add3A = arith.addi %mul3A_0, %arg0 : i32
    %mul3A_1 = arith.constant 512 : i32
    %mul3A_2 = arith.muli %add3A, %mul3A_1 : i32
    %dma_start3A = arith.constant 0 : i32
    %dma_start3A_3 = arith.constant 0 : i32
    %dma_start3A_4 = arith.constant 0 : i32
    %dma_start3A_5 = tpu.memref_slice %arg4[%dma_start3A, %dma_start3A_3, %dma_start3A_4] : memref<16x32x128xf32, #tpu.memory_space<vmem>> -> memref<1x32x128xf32, #tpu.memory_space<vmem>>
    %dma_start3A_6 = tpu.memref_squeeze %dma_start3A_5 : memref<1x32x128xf32, #tpu.memory_space<vmem>> -> memref<32x128xf32, #tpu.memory_space<vmem>>
    %dma_start3A_7 = arith.constant 0 : i32
    %dma_start3A_8 = arith.constant 0 : i32
    %dma_start3A_9 = tpu.memref_slice %arg4[%dma_start3A, %dma_start3A_7, %dma_start3A_8] : memref<16x32x128xf32, #tpu.memory_space<vmem>> -> memref<1x32x128xf32, #tpu.memory_space<vmem>>
    %dma_start3A_10 = tpu.memref_squeeze %dma_start3A_9 : memref<1x32x128xf32, #tpu.memory_space<vmem>> -> memref<32x128xf32, #tpu.memory_space<vmem>>
    tpu.enqueue_dma source(%arg2 : memref<32x128xf32, #tpu.memory_space<hbm>>) target(%dma_start3A_10 : memref<32x128xf32, #tpu.memory_space<vmem>>) target_semaphore(%arg5 : memref<!tpu.dma_semaphore, #tpu.memory_space<semaphore_mem>>)
    %dma_start3A_11 = arith.constant 1 : i32
    %dma_start3A_12 = arith.constant 0 : i32
    %dma_start3A_13 = arith.constant 0 : i32
    %dma_start3A_14 = tpu.memref_slice %arg4[%dma_start3A_11, %dma_start3A_12, %dma_start3A_13] : memref<16x32x128xf32, #tpu.memory_space<vmem>> -> memref<1x32x128xf32, #tpu.memory_space<vmem>>
    %dma_start3A_15 = tpu.memref_squeeze %dma_start3A_14 : memref<1x32x128xf32, #tpu.memory_space<vmem>> -> memref<32x128xf32, #tpu.memory_space<vmem>>
    %dma_start3A_16 = arith.constant 0 : i32
    %dma_start3A_17 = arith.constant 0 : i32
    %dma_start3A_18 = tpu.memref_slice %arg4[%dma_start3A_11, %dma_start3A_16, %dma_start3A_17] : memref<16x32x128xf32, #tpu.memory_space<vmem>> -> memref<1x32x128xf32, #tpu.memory_space<vmem>>
    %dma_start3A_19 = tpu.memref_squeeze %dma_start3A_18 : memref<1x32x128xf32, #tpu.memory_space<vmem>> -> memref<32x128xf32, #tpu.memory_space<vmem>>
    tpu.enqueue_dma source(%arg2 : memref<32x128xf32, #tpu.memory_space<hbm>>) target(%dma_start3A_19 : memref<32x128xf32, #tpu.memory_space<vmem>>) target_semaphore(%arg5 : memref<!tpu.dma_semaphore, #tpu.memory_space<semaphore_mem>>)
    %dma_start3A_20 = arith.constant 2 : i32
    %dma_start3A_21 = arith.constant 0 : i32
    %dma_start3A_22 = arith.constant 0 : i32
    %dma_start3A_23 = tpu.memref_slice %arg4[%dma_start3A_20, %dma_start3A_21, %dma_start3A_22] : memref<16x32x128xf32, #tpu.memory_space<vmem>> -> memref<1x32x128xf32, #tpu.memory_space<vmem>>
    %dma_start3A_24 = tpu.memref_squeeze %dma_start3A_23 : memref<1x32x128xf32, #tpu.memory_space<vmem>> -> memref<32x128xf32, #tpu.memory_space<vmem>>
    %dma_start3A_25 = arith.constant 0 : i32
    %dma_start3A_26 = arith.constant 0 : i32
    %dma_start3A_27 = tpu.memref_slice %arg4[%dma_start3A_20, %dma_start3A_25, %dma_start3A_26] : memref<16x32x128xf32, #tpu.memory_space<vmem>> -> memref<1x32x128xf32, #tpu.memory_space<vmem>>
    %dma_start3A_28 = tpu.memref_squeeze %dma_start3A_27 : memref<1x32x128xf32, #tpu.memory_space<vmem>> -> memref<32x128xf32, #tpu.memory_space<vmem>>
    tpu.enqueue_dma source(%arg2 : memref<32x128xf32, #tpu.memory_space<hbm>>) target(%dma_start3A_28 : memref<32x128xf32, #tpu.memory_space<vmem>>) target_semaphore(%arg5 : memref<!tpu.dma_semaphore, #tpu.memory_space<semaphore_mem>>)
    %dma_start3A_29 = arith.constant 3 : i32
    %dma_start3A_30 = arith.constant 0 : i32
    %dma_start3A_31 = arith.constant 0 : i32
    %dma_start3A_32 = tpu.memref_slice %arg4[%dma_start3A_29, %dma_start3A_30, %dma_start3A_31] : memref<16x32x128xf32, #tpu.memory_space<vmem>> -> memref<1x32x128xf32, #tpu.memory_space<vmem>>
    %dma_start3A_33 = tpu.memref_squeeze %dma_start3A_32 : memref<1x32x128xf32, #tpu.memory_space<vmem>> -> memref<32x128xf32, #tpu.memory_space<vmem>>
    %dma_start3A_34 = arith.constant 0 : i32
    %dma_start3A_35 = arith.constant 0 : i32
    %dma_start3A_36 = tpu.memref_slice %arg4[%dma_start3A_29, %dma_start3A_34, %dma_start3A_35] : memref<16x32x128xf32, #tpu.memory_space<vmem>> -> memref<1x32x128xf32, #tpu.memory_space<vmem>>
    %dma_start3A_37 = tpu.memref_squeeze %dma_start3A_36 : memref<1x32x128xf32, #tpu.memory_space<vmem>> -> memref<32x128xf32, #tpu.memory_space<vmem>>
    tpu.enqueue_dma source(%arg2 : memref<32x128xf32, #tpu.memory_space<hbm>>) target(%dma_start3A_37 : memref<32x128xf32, #tpu.memory_space<vmem>>) target_semaphore(%arg5 : memref<!tpu.dma_semaphore, #tpu.memory_space<semaphore_mem>>)
    %dma_start3A_38 = arith.constant 4 : i32
    %dma_start3A_39 = arith.constant 0 : i32
    %dma_start3A_40 = arith.constant 0 : i32
    %dma_start3A_41 = tpu.memref_slice %arg4[%dma_start3A_38, %dma_start3A_39, %dma_start3A_40] : memref<16x32x128xf32, #tpu.memory_space<vmem>> -> memref<1x32x128xf32, #tpu.memory_space<vmem>>
    %dma_start3A_42 = tpu.memref_squeeze %dma_start3A_41 : memref<1x32x128xf32, #tpu.memory_space<vmem>> -> memref<32x128xf32, #tpu.memory_space<vmem>>
    %dma_start3A_43 = arith.constant 0 : i32
    %dma_start3A_44 = arith.constant 0 : i32
    %dma_start3A_45 = tpu.memref_slice %arg4[%dma_start3A_38, %dma_start3A_43, %dma_start3A_44] : memref<16x32x128xf32, #tpu.memory_space<vmem>> -> memref<1x32x128xf32, #tpu.memory_space<vmem>>
    %dma_start3A_46 = tpu.memref_squeeze %dma_start3A_45 : memref<1x32x128xf32, #tpu.memory_space<vmem>> -> memref<32x128xf32, #tpu.memory_space<vmem>>
    tpu.enqueue_dma source(%arg2 : memref<32x128xf32, #tpu.memory_space<hbm>>) target(%dma_start3A_46 : memref<32x128xf32, #tpu.memory_space<vmem>>) target_semaphore(%arg5 : memref<!tpu.dma_semaphore, #tpu.memory_space<semaphore_mem>>)
    %dma_start3A_47 = arith.constant 5 : i32
    %dma_start3A_48 = arith.constant 0 : i32
    %dma_start3A_49 = arith.constant 0 : i32
    %dma_start3A_50 = tpu.memref_slice %arg4[%dma_start3A_47, %dma_start3A_48, %dma_start3A_49] : memref<16x32x128xf32, #tpu.memory_space<vmem>> -> memref<1x32x128xf32, #tpu.memory_space<vmem>>
    %dma_start3A_51 = tpu.memref_squeeze %dma_start3A_50 : memref<1x32x128xf32, #tpu.memory_space<vmem>> -> memref<32x128xf32, #tpu.memory_space<vmem>>
    %dma_start3A_52 = arith.constant 0 : i32
    %dma_start3A_53 = arith.constant 0 : i32
    %dma_start3A_54 = tpu.memref_slice %arg4[%dma_start3A_47, %dma_start3A_52, %dma_start3A_53] : memref<16x32x128xf32, #tpu.memory_space<vmem>> -> memref<1x32x128xf32, #tpu.memory_space<vmem>>
    %dma_start3A_55 = tpu.memref_squeeze %dma_start3A_54 : memref<1x32x128xf32, #tpu.memory_space<vmem>> -> memref<32x128xf32, #tpu.memory_space<vmem>>
    tpu.enqueue_dma source(%arg2 : memref<32x128xf32, #tpu.memory_space<hbm>>) target(%dma_start3A_55 : memref<32x128xf32, #tpu.memory_space<vmem>>) target_semaphore(%arg5 : memref<!tpu.dma_semaphore, #tpu.memory_space<semaphore_mem>>)
    %dma_start3A_56 = arith.constant 6 : i32
    %dma_start3A_57 = arith.constant 0 : i32
    %dma_start3A_58 = arith.constant 0 : i32
    %dma_start3A_59 = tpu.memref_slice %arg4[%dma_start3A_56, %dma_start3A_57, %dma_start3A_58] : memref<16x32x128xf32, #tpu.memory_space<vmem>> -> memref<1x32x128xf32, #tpu.memory_space<vmem>>
    %dma_start3A_60 = tpu.memref_squeeze %dma_start3A_59 : memref<1x32x128xf32, #tpu.memory_space<vmem>> -> memref<32x128xf32, #tpu.memory_space<vmem>>
    %dma_start3A_61 = arith.constant 0 : i32
    %dma_start3A_62 = arith.constant 0 : i32
    %dma_start3A_63 = tpu.memref_slice %arg4[%dma_start3A_56, %dma_start3A_61, %dma_start3A_62] : memref<16x32x128xf32, #tpu.memory_space<vmem>> -> memref<1x32x128xf32, #tpu.memory_space<vmem>>
    %dma_start3A_64 = tpu.memref_squeeze %dma_start3A_63 : memref<1x32x128xf32, #tpu.memory_space<vmem>> -> memref<32x128xf32, #tpu.memory_space<vmem>>
    tpu.enqueue_dma source(%arg2 : memref<32x128xf32, #tpu.memory_space<hbm>>) target(%dma_start3A_64 : memref<32x128xf32, #tpu.memory_space<vmem>>) target_semaphore(%arg5 : memref<!tpu.dma_semaphore, #tpu.memory_space<semaphore_mem>>)
    %dma_start3A_65 = arith.constant 7 : i32
    %dma_start3A_66 = arith.constant 0 : i32
    %dma_start3A_67 = arith.constant 0 : i32
    %dma_start3A_68 = tpu.memref_slice %arg4[%dma_start3A_65, %dma_start3A_66, %dma_start3A_67] : memref<16x32x128xf32, #tpu.memory_space<vmem>> -> memref<1x32x128xf32, #tpu.memory_space<vmem>>
    %dma_start3A_69 = tpu.memref_squeeze %dma_start3A_68 : memref<1x32x128xf32, #tpu.memory_space<vmem>> -> memref<32x128xf32, #tpu.memory_space<vmem>>
    %dma_start3A_70 = arith.constant 0 : i32
    %dma_start3A_71 = arith.constant 0 : i32
    %dma_start3A_72 = tpu.memref_slice %arg4[%dma_start3A_65, %dma_start3A_70, %dma_start3A_71] : memref<16x32x128xf32, #tpu.memory_space<vmem>> -> memref<1x32x128xf32, #tpu.memory_space<vmem>>
    %dma_start3A_73 = tpu.memref_squeeze %dma_start3A_72 : memref<1x32x128xf32, #tpu.memory_space<vmem>> -> memref<32x128xf32, #tpu.memory_space<vmem>>
    tpu.enqueue_dma source(%arg2 : memref<32x128xf32, #tpu.memory_space<hbm>>) target(%dma_start3A_73 : memref<32x128xf32, #tpu.memory_space<vmem>>) target_semaphore(%arg5 : memref<!tpu.dma_semaphore, #tpu.memory_space<semaphore_mem>>)
    %dma_start3A_74 = arith.constant 8 : i32
    %dma_start3A_75 = arith.constant 0 : i32
    %dma_start3A_76 = arith.constant 0 : i32
    %dma_start3A_77 = tpu.memref_slice %arg4[%dma_start3A_74, %dma_start3A_75, %dma_start3A_76] : memref<16x32x128xf32, #tpu.memory_space<vmem>> -> memref<1x32x128xf32, #tpu.memory_space<vmem>>
    %dma_start3A_78 = tpu.memref_squeeze %dma_start3A_77 : memref<1x32x128xf32, #tpu.memory_space<vmem>> -> memref<32x128xf32, #tpu.memory_space<vmem>>
    %dma_start3A_79 = arith.constant 0 : i32
    %dma_start3A_80 = arith.constant 0 : i32
    %dma_start3A_81 = tpu.memref_slice %arg4[%dma_start3A_74, %dma_start3A_79, %dma_start3A_80] : memref<16x32x128xf32, #tpu.memory_space<vmem>> -> memref<1x32x128xf32, #tpu.memory_space<vmem>>
    %dma_start3A_82 = tpu.memref_squeeze %dma_start3A_81 : memref<1x32x128xf32, #tpu.memory_space<vmem>> -> memref<32x128xf32, #tpu.memory_space<vmem>>
    tpu.enqueue_dma source(%arg2 : memref<32x128xf32, #tpu.memory_space<hbm>>) target(%dma_start3A_82 : memref<32x128xf32, #tpu.memory_space<vmem>>) target_semaphore(%arg5 : memref<!tpu.dma_semaphore, #tpu.memory_space<semaphore_mem>>)
    %dma_start3A_83 = arith.constant 9 : i32
    %dma_start3A_84 = arith.constant 0 : i32
    %dma_start3A_85 = arith.constant 0 : i32
    %dma_start3A_86 = tpu.memref_slice %arg4[%dma_start3A_83, %dma_start3A_84, %dma_start3A_85] : memref<16x32x128xf32, #tpu.memory_space<vmem>> -> memref<1x32x128xf32, #tpu.memory_space<vmem>>
    %dma_start3A_87 = tpu.memref_squeeze %dma_start3A_86 : memref<1x32x128xf32, #tpu.memory_space<vmem>> -> memref<32x128xf32, #tpu.memory_space<vmem>>
    %dma_start3A_88 = arith.constant 0 : i32
    %dma_start3A_89 = arith.constant 0 : i32
    %dma_start3A_90 = tpu.memref_slice %arg4[%dma_start3A_83, %dma_start3A_88, %dma_start3A_89] : memref<16x32x128xf32, #tpu.memory_space<vmem>> -> memref<1x32x128xf32, #tpu.memory_space<vmem>>
    %dma_start3A_91 = tpu.memref_squeeze %dma_start3A_90 : memref<1x32x128xf32, #tpu.memory_space<vmem>> -> memref<32x128xf32, #tpu.memory_space<vmem>>
    tpu.enqueue_dma source(%arg2 : memref<32x128xf32, #tpu.memory_space<hbm>>) target(%dma_start3A_91 : memref<32x128xf32, #tpu.memory_space<vmem>>) target_semaphore(%arg5 : memref<!tpu.dma_semaphore, #tpu.memory_space<semaphore_mem>>)
    %dma_start3A_92 = arith.constant 10 : i32
    %dma_start3A_93 = arith.constant 0 : i32
    %dma_start3A_94 = arith.constant 0 : i32
    %dma_start3A_95 = tpu.memref_slice %arg4[%dma_start3A_92, %dma_start3A_93, %dma_start3A_94] : memref<16x32x128xf32, #tpu.memory_space<vmem>> -> memref<1x32x128xf32, #tpu.memory_space<vmem>>
    %dma_start3A_96 = tpu.memref_squeeze %dma_start3A_95 : memref<1x32x128xf32, #tpu.memory_space<vmem>> -> memref<32x128xf32, #tpu.memory_space<vmem>>
    %dma_start3A_97 = arith.constant 0 : i32
    %dma_start3A_98 = arith.constant 0 : i32
    %dma_start3A_99 = tpu.memref_slice %arg4[%dma_start3A_92, %dma_start3A_97, %dma_start3A_98] : memref<16x32x128xf32, #tpu.memory_space<vmem>> -> memref<1x32x128xf32, #tpu.memory_space<vmem>>
    %dma_start3A_100 = tpu.memref_squeeze %dma_start3A_99 : memref<1x32x128xf32, #tpu.memory_space<vmem>> -> memref<32x128xf32, #tpu.memory_space<vmem>>
    tpu.enqueue_dma source(%arg2 : memref<32x128xf32, #tpu.memory_space<hbm>>) target(%dma_start3A_100 : memref<32x128xf32, #tpu.memory_space<vmem>>) target_semaphore(%arg5 : memref<!tpu.dma_semaphore, #tpu.memory_space<semaphore_mem>>)
    %dma_start3A_101 = arith.constant 11 : i32
    %dma_start3A_102 = arith.constant 0 : i32
    %dma_start3A_103 = arith.constant 0 : i32
    %dma_start3A_104 = tpu.memref_slice %arg4[%dma_start3A_101, %dma_start3A_102, %dma_start3A_103] : memref<16x32x128xf32, #tpu.memory_space<vmem>> -> memref<1x32x128xf32, #tpu.memory_space<vmem>>
    %dma_start3A_105 = tpu.memref_squeeze %dma_start3A_104 : memref<1x32x128xf32, #tpu.memory_space<vmem>> -> memref<32x128xf32, #tpu.memory_space<vmem>>
    %dma_start3A_106 = arith.constant 0 : i32
    %dma_start3A_107 = arith.constant 0 : i32
    %dma_start3A_108 = tpu.memref_slice %arg4[%dma_start3A_101, %dma_start3A_106, %dma_start3A_107] : memref<16x32x128xf32, #tpu.memory_space<vmem>> -> memref<1x32x128xf32, #tpu.memory_space<vmem>>
    %dma_start3A_109 = tpu.memref_squeeze %dma_start3A_108 : memref<1x32x128xf32, #tpu.memory_space<vmem>> -> memref<32x128xf32, #tpu.memory_space<vmem>>
    tpu.enqueue_dma source(%arg2 : memref<32x128xf32, #tpu.memory_space<hbm>>) target(%dma_start3A_109 : memref<32x128xf32, #tpu.memory_space<vmem>>) target_semaphore(%arg5 : memref<!tpu.dma_semaphore, #tpu.memory_space<semaphore_mem>>)
    %dma_start3A_110 = arith.constant 12 : i32
    %dma_start3A_111 = arith.constant 0 : i32
    %dma_start3A_112 = arith.constant 0 : i32
    %dma_start3A_113 = tpu.memref_slice %arg4[%dma_start3A_110, %dma_start3A_111, %dma_start3A_112] : memref<16x32x128xf32, #tpu.memory_space<vmem>> -> memref<1x32x128xf32, #tpu.memory_space<vmem>>
    %dma_start3A_114 = tpu.memref_squeeze %dma_start3A_113 : memref<1x32x128xf32, #tpu.memory_space<vmem>> -> memref<32x128xf32, #tpu.memory_space<vmem>>
    %dma_start3A_115 = arith.constant 0 : i32
    %dma_start3A_116 = arith.constant 0 : i32
    %dma_start3A_117 = tpu.memref_slice %arg4[%dma_start3A_110, %dma_start3A_115, %dma_start3A_116] : memref<16x32x128xf32, #tpu.memory_space<vmem>> -> memref<1x32x128xf32, #tpu.memory_space<vmem>>
    %dma_start3A_118 = tpu.memref_squeeze %dma_start3A_117 : memref<1x32x128xf32, #tpu.memory_space<vmem>> -> memref<32x128xf32, #tpu.memory_space<vmem>>
    tpu.enqueue_dma source(%arg2 : memref<32x128xf32, #tpu.memory_space<hbm>>) target(%dma_start3A_118 : memref<32x128xf32, #tpu.memory_space<vmem>>) target_semaphore(%arg5 : memref<!tpu.dma_semaphore, #tpu.memory_space<semaphore_mem>>)
    %dma_start3A_119 = arith.constant 13 : i32
    %dma_start3A_120 = arith.constant 0 : i32
    %dma_start3A_121 = arith.constant 0 : i32
    %dma_start3A_122 = tpu.memref_slice %arg4[%dma_start3A_119, %dma_start3A_120, %dma_start3A_121] : memref<16x32x128xf32, #tpu.memory_space<vmem>> -> memref<1x32x128xf32, #tpu.memory_space<vmem>>
    %dma_start3A_123 = tpu.memref_squeeze %dma_start3A_122 : memref<1x32x128xf32, #tpu.memory_space<vmem>> -> memref<32x128xf32, #tpu.memory_space<vmem>>
    %dma_start3A_124 = arith.constant 0 : i32
    %dma_start3A_125 = arith.constant 0 : i32
    %dma_start3A_126 = tpu.memref_slice %arg4[%dma_start3A_119, %dma_start3A_124, %dma_start3A_125] : memref<16x32x128xf32, #tpu.memory_space<vmem>> -> memref<1x32x128xf32, #tpu.memory_space<vmem>>
    %dma_start3A_127 = tpu.memref_squeeze %dma_start3A_126 : memref<1x32x128xf32, #tpu.memory_space<vmem>> -> memref<32x128xf32, #tpu.memory_space<vmem>>
    tpu.enqueue_dma source(%arg2 : memref<32x128xf32, #tpu.memory_space<hbm>>) target(%dma_start3A_127 : memref<32x128xf32, #tpu.memory_space<vmem>>) target_semaphore(%arg5 : memref<!tpu.dma_semaphore, #tpu.memory_space<semaphore_mem>>)
    %dma_start3A_128 = arith.constant 14 : i32
    %dma_start3A_129 = arith.constant 0 : i32
    %dma_start3A_130 = arith.constant 0 : i32
    %dma_start3A_131 = tpu.memref_slice %arg4[%dma_start3A_128, %dma_start3A_129, %dma_start3A_130] : memref<16x32x128xf32, #tpu.memory_space<vmem>> -> memref<1x32x128xf32, #tpu.memory_space<vmem>>
    %dma_start3A_132 = tpu.memref_squeeze %dma_start3A_131 : memref<1x32x128xf32, #tpu.memory_space<vmem>> -> memref<32x128xf32, #tpu.memory_space<vmem>>
    %dma_start3A_133 = arith.constant 0 : i32
    %dma_start3A_134 = arith.constant 0 : i32
    %dma_start3A_135 = tpu.memref_slice %arg4[%dma_start3A_128, %dma_start3A_133, %dma_start3A_134] : memref<16x32x128xf32, #tpu.memory_space<vmem>> -> memref<1x32x128xf32, #tpu.memory_space<vmem>>
    %dma_start3A_136 = tpu.memref_squeeze %dma_start3A_135 : memref<1x32x128xf32, #tpu.memory_space<vmem>> -> memref<32x128xf32, #tpu.memory_space<vmem>>
    tpu.enqueue_dma source(%arg2 : memref<32x128xf32, #tpu.memory_space<hbm>>) target(%dma_start3A_136 : memref<32x128xf32, #tpu.memory_space<vmem>>) target_semaphore(%arg5 : memref<!tpu.dma_semaphore, #tpu.memory_space<semaphore_mem>>)
    %dma_start3A_137 = arith.constant 15 : i32
    %dma_start3A_138 = arith.constant 0 : i32
    %dma_start3A_139 = arith.constant 0 : i32
    %dma_start3A_140 = tpu.memref_slice %arg4[%dma_start3A_137, %dma_start3A_138, %dma_start3A_139] : memref<16x32x128xf32, #tpu.memory_space<vmem>> -> memref<1x32x128xf32, #tpu.memory_space<vmem>>
    %dma_start3A_141 = tpu.memref_squeeze %dma_start3A_140 : memref<1x32x128xf32, #tpu.memory_space<vmem>> -> memref<32x128xf32, #tpu.memory_space<vmem>>
    %dma_start3A_142 = arith.constant 0 : i32
    %dma_start3A_143 = arith.constant 0 : i32
    %dma_start3A_144 = tpu.memref_slice %arg4[%dma_start3A_137, %dma_start3A_142, %dma_start3A_143] : memref<16x32x128xf32, #tpu.memory_space<vmem>> -> memref<1x32x128xf32, #tpu.memory_space<vmem>>
    %dma_start3A_145 = tpu.memref_squeeze %dma_start3A_144 : memref<1x32x128xf32, #tpu.memory_space<vmem>> -> memref<32x128xf32, #tpu.memory_space<vmem>>
    tpu.enqueue_dma source(%arg2 : memref<32x128xf32, #tpu.memory_space<hbm>>) target(%dma_start3A_145 : memref<32x128xf32, #tpu.memory_space<vmem>>) target_semaphore(%arg5 : memref<!tpu.dma_semaphore, #tpu.memory_space<semaphore_mem>>)
    %dma_wait3A = arith.constant 0 : i32
    %dma_wait3A_146 = arith.constant 0 : i32
    %dma_wait3A_147 = arith.constant 0 : i32
    %dma_wait3A_148 = tpu.memref_slice %arg4[%dma_wait3A, %dma_wait3A_146, %dma_wait3A_147] : memref<16x32x128xf32, #tpu.memory_space<vmem>> -> memref<1x32x128xf32, #tpu.memory_space<vmem>>
    %dma_wait3A_149 = tpu.memref_squeeze %dma_wait3A_148 : memref<1x32x128xf32, #tpu.memory_space<vmem>> -> memref<32x128xf32, #tpu.memory_space<vmem>>
    %dma_wait3A_150 = arith.constant 0 : i32
    %dma_wait3A_151 = arith.constant 0 : i32
    %dma_wait3A_152 = tpu.memref_slice %arg4[%dma_wait3A, %dma_wait3A_150, %dma_wait3A_151] : memref<16x32x128xf32, #tpu.memory_space<vmem>> -> memref<1x32x128xf32, #tpu.memory_space<vmem>>
    %dma_wait3A_153 = tpu.memref_squeeze %dma_wait3A_152 : memref<1x32x128xf32, #tpu.memory_space<vmem>> -> memref<32x128xf32, #tpu.memory_space<vmem>>
    tpu.wait_dma2 semaphore(%arg5 : memref<!tpu.dma_semaphore, #tpu.memory_space<semaphore_mem>>) src(%arg2 : memref<32x128xf32, #tpu.memory_space<hbm>>) dst(%dma_wait3A_153 : memref<32x128xf32, #tpu.memory_space<vmem>>)
    %dma_wait3A_154 = arith.constant 1 : i32
    %dma_wait3A_155 = arith.constant 0 : i32
    %dma_wait3A_156 = arith.constant 0 : i32
    %dma_wait3A_157 = tpu.memref_slice %arg4[%dma_wait3A_154, %dma_wait3A_155, %dma_wait3A_156] : memref<16x32x128xf32, #tpu.memory_space<vmem>> -> memref<1x32x128xf32, #tpu.memory_space<vmem>>
    %dma_wait3A_158 = tpu.memref_squeeze %dma_wait3A_157 : memref<1x32x128xf32, #tpu.memory_space<vmem>> -> memref<32x128xf32, #tpu.memory_space<vmem>>
    %dma_wait3A_159 = arith.constant 0 : i32
    %dma_wait3A_160 = arith.constant 0 : i32
    %dma_wait3A_161 = tpu.memref_slice %arg4[%dma_wait3A_154, %dma_wait3A_159, %dma_wait3A_160] : memref<16x32x128xf32, #tpu.memory_space<vmem>> -> memref<1x32x128xf32, #tpu.memory_space<vmem>>
    %dma_wait3A_162 = tpu.memref_squeeze %dma_wait3A_161 : memref<1x32x128xf32, #tpu.memory_space<vmem>> -> memref<32x128xf32, #tpu.memory_space<vmem>>
    tpu.wait_dma2 semaphore(%arg5 : memref<!tpu.dma_semaphore, #tpu.memory_space<semaphore_mem>>) src(%arg2 : memref<32x128xf32, #tpu.memory_space<hbm>>) dst(%dma_wait3A_162 : memref<32x128xf32, #tpu.memory_space<vmem>>)
    %dma_wait3A_163 = arith.constant 2 : i32
    %dma_wait3A_164 = arith.constant 0 : i32
    %dma_wait3A_165 = arith.constant 0 : i32
    %dma_wait3A_166 = tpu.memref_slice %arg4[%dma_wait3A_163, %dma_wait3A_164, %dma_wait3A_165] : memref<16x32x128xf32, #tpu.memory_space<vmem>> -> memref<1x32x128xf32, #tpu.memory_space<vmem>>
    %dma_wait3A_167 = tpu.memref_squeeze %dma_wait3A_166 : memref<1x32x128xf32, #tpu.memory_space<vmem>> -> memref<32x128xf32, #tpu.memory_space<vmem>>
    %dma_wait3A_168 = arith.constant 0 : i32
    %dma_wait3A_169 = arith.constant 0 : i32
    %dma_wait3A_170 = tpu.memref_slice %arg4[%dma_wait3A_163, %dma_wait3A_168, %dma_wait3A_169] : memref<16x32x128xf32, #tpu.memory_space<vmem>> -> memref<1x32x128xf32, #tpu.memory_space<vmem>>
    %dma_wait3A_171 = tpu.memref_squeeze %dma_wait3A_170 : memref<1x32x128xf32, #tpu.memory_space<vmem>> -> memref<32x128xf32, #tpu.memory_space<vmem>>
    tpu.wait_dma2 semaphore(%arg5 : memref<!tpu.dma_semaphore, #tpu.memory_space<semaphore_mem>>) src(%arg2 : memref<32x128xf32, #tpu.memory_space<hbm>>) dst(%dma_wait3A_171 : memref<32x128xf32, #tpu.memory_space<vmem>>)
    %dma_wait3A_172 = arith.constant 3 : i32
    %dma_wait3A_173 = arith.constant 0 : i32
    %dma_wait3A_174 = arith.constant 0 : i32
    %dma_wait3A_175 = tpu.memref_slice %arg4[%dma_wait3A_172, %dma_wait3A_173, %dma_wait3A_174] : memref<16x32x128xf32, #tpu.memory_space<vmem>> -> memref<1x32x128xf32, #tpu.memory_space<vmem>>
    %dma_wait3A_176 = tpu.memref_squeeze %dma_wait3A_175 : memref<1x32x128xf32, #tpu.memory_space<vmem>> -> memref<32x128xf32, #tpu.memory_space<vmem>>
    %dma_wait3A_177 = arith.constant 0 : i32
    %dma_wait3A_178 = arith.constant 0 : i32
    %dma_wait3A_179 = tpu.memref_slice %arg4[%dma_wait3A_172, %dma_wait3A_177, %dma_wait3A_178] : memref<16x32x128xf32, #tpu.memory_space<vmem>> -> memref<1x32x128xf32, #tpu.memory_space<vmem>>
    %dma_wait3A_180 = tpu.memref_squeeze %dma_wait3A_179 : memref<1x32x128xf32, #tpu.memory_space<vmem>> -> memref<32x128xf32, #tpu.memory_space<vmem>>
    tpu.wait_dma2 semaphore(%arg5 : memref<!tpu.dma_semaphore, #tpu.memory_space<semaphore_mem>>) src(%arg2 : memref<32x128xf32, #tpu.memory_space<hbm>>) dst(%dma_wait3A_180 : memref<32x128xf32, #tpu.memory_space<vmem>>)
    %dma_wait3A_181 = arith.constant 4 : i32
    %dma_wait3A_182 = arith.constant 0 : i32
    %dma_wait3A_183 = arith.constant 0 : i32
    %dma_wait3A_184 = tpu.memref_slice %arg4[%dma_wait3A_181, %dma_wait3A_182, %dma_wait3A_183] : memref<16x32x128xf32, #tpu.memory_space<vmem>> -> memref<1x32x128xf32, #tpu.memory_space<vmem>>
    %dma_wait3A_185 = tpu.memref_squeeze %dma_wait3A_184 : memref<1x32x128xf32, #tpu.memory_space<vmem>> -> memref<32x128xf32, #tpu.memory_space<vmem>>
    %dma_wait3A_186 = arith.constant 0 : i32
    %dma_wait3A_187 = arith.constant 0 : i32
    %dma_wait3A_188 = tpu.memref_slice %arg4[%dma_wait3A_181, %dma_wait3A_186, %dma_wait3A_187] : memref<16x32x128xf32, #tpu.memory_space<vmem>> -> memref<1x32x128xf32, #tpu.memory_space<vmem>>
    %dma_wait3A_189 = tpu.memref_squeeze %dma_wait3A_188 : memref<1x32x128xf32, #tpu.memory_space<vmem>> -> memref<32x128xf32, #tpu.memory_space<vmem>>
    tpu.wait_dma2 semaphore(%arg5 : memref<!tpu.dma_semaphore, #tpu.memory_space<semaphore_mem>>) src(%arg2 : memref<32x128xf32, #tpu.memory_space<hbm>>) dst(%dma_wait3A_189 : memref<32x128xf32, #tpu.memory_space<vmem>>)
    %dma_wait3A_190 = arith.constant 5 : i32
    %dma_wait3A_191 = arith.constant 0 : i32
    %dma_wait3A_192 = arith.constant 0 : i32
    %dma_wait3A_193 = tpu.memref_slice %arg4[%dma_wait3A_190, %dma_wait3A_191, %dma_wait3A_192] : memref<16x32x128xf32, #tpu.memory_space<vmem>> -> memref<1x32x128xf32, #tpu.memory_space<vmem>>
    %dma_wait3A_194 = tpu.memref_squeeze %dma_wait3A_193 : memref<1x32x128xf32, #tpu.memory_space<vmem>> -> memref<32x128xf32, #tpu.memory_space<vmem>>
    %dma_wait3A_195 = arith.constant 0 : i32
    %dma_wait3A_196 = arith.constant 0 : i32
    %dma_wait3A_197 = tpu.memref_slice %arg4[%dma_wait3A_190, %dma_wait3A_195, %dma_wait3A_196] : memref<16x32x128xf32, #tpu.memory_space<vmem>> -> memref<1x32x128xf32, #tpu.memory_space<vmem>>
    %dma_wait3A_198 = tpu.memref_squeeze %dma_wait3A_197 : memref<1x32x128xf32, #tpu.memory_space<vmem>> -> memref<32x128xf32, #tpu.memory_space<vmem>>
    tpu.wait_dma2 semaphore(%arg5 : memref<!tpu.dma_semaphore, #tpu.memory_space<semaphore_mem>>) src(%arg2 : memref<32x128xf32, #tpu.memory_space<hbm>>) dst(%dma_wait3A_198 : memref<32x128xf32, #tpu.memory_space<vmem>>)
    %dma_wait3A_199 = arith.constant 6 : i32
    %dma_wait3A_200 = arith.constant 0 : i32
    %dma_wait3A_201 = arith.constant 0 : i32
    %dma_wait3A_202 = tpu.memref_slice %arg4[%dma_wait3A_199, %dma_wait3A_200, %dma_wait3A_201] : memref<16x32x128xf32, #tpu.memory_space<vmem>> -> memref<1x32x128xf32, #tpu.memory_space<vmem>>
    %dma_wait3A_203 = tpu.memref_squeeze %dma_wait3A_202 : memref<1x32x128xf32, #tpu.memory_space<vmem>> -> memref<32x128xf32, #tpu.memory_space<vmem>>
    %dma_wait3A_204 = arith.constant 0 : i32
    %dma_wait3A_205 = arith.constant 0 : i32
    %dma_wait3A_206 = tpu.memref_slice %arg4[%dma_wait3A_199, %dma_wait3A_204, %dma_wait3A_205] : memref<16x32x128xf32, #tpu.memory_space<vmem>> -> memref<1x32x128xf32, #tpu.memory_space<vmem>>
    %dma_wait3A_207 = tpu.memref_squeeze %dma_wait3A_206 : memref<1x32x128xf32, #tpu.memory_space<vmem>> -> memref<32x128xf32, #tpu.memory_space<vmem>>
    tpu.wait_dma2 semaphore(%arg5 : memref<!tpu.dma_semaphore, #tpu.memory_space<semaphore_mem>>) src(%arg2 : memref<32x128xf32, #tpu.memory_space<hbm>>) dst(%dma_wait3A_207 : memref<32x128xf32, #tpu.memory_space<vmem>>)
    %dma_wait3A_208 = arith.constant 7 : i32
    %dma_wait3A_209 = arith.constant 0 : i32
    %dma_wait3A_210 = arith.constant 0 : i32
    %dma_wait3A_211 = tpu.memref_slice %arg4[%dma_wait3A_208, %dma_wait3A_209, %dma_wait3A_210] : memref<16x32x128xf32, #tpu.memory_space<vmem>> -> memref<1x32x128xf32, #tpu.memory_space<vmem>>
    %dma_wait3A_212 = tpu.memref_squeeze %dma_wait3A_211 : memref<1x32x128xf32, #tpu.memory_space<vmem>> -> memref<32x128xf32, #tpu.memory_space<vmem>>
    %dma_wait3A_213 = arith.constant 0 : i32
    %dma_wait3A_214 = arith.constant 0 : i32
    %dma_wait3A_215 = tpu.memref_slice %arg4[%dma_wait3A_208, %dma_wait3A_213, %dma_wait3A_214] : memref<16x32x128xf32, #tpu.memory_space<vmem>> -> memref<1x32x128xf32, #tpu.memory_space<vmem>>
    %dma_wait3A_216 = tpu.memref_squeeze %dma_wait3A_215 : memref<1x32x128xf32, #tpu.memory_space<vmem>> -> memref<32x128xf32, #tpu.memory_space<vmem>>
    tpu.wait_dma2 semaphore(%arg5 : memref<!tpu.dma_semaphore, #tpu.memory_space<semaphore_mem>>) src(%arg2 : memref<32x128xf32, #tpu.memory_space<hbm>>) dst(%dma_wait3A_216 : memref<32x128xf32, #tpu.memory_space<vmem>>)
    %dma_wait3A_217 = arith.constant 8 : i32
    %dma_wait3A_218 = arith.constant 0 : i32
    %dma_wait3A_219 = arith.constant 0 : i32
    %dma_wait3A_220 = tpu.memref_slice %arg4[%dma_wait3A_217, %dma_wait3A_218, %dma_wait3A_219] : memref<16x32x128xf32, #tpu.memory_space<vmem>> -> memref<1x32x128xf32, #tpu.memory_space<vmem>>
    %dma_wait3A_221 = tpu.memref_squeeze %dma_wait3A_220 : memref<1x32x128xf32, #tpu.memory_space<vmem>> -> memref<32x128xf32, #tpu.memory_space<vmem>>
    %dma_wait3A_222 = arith.constant 0 : i32
    %dma_wait3A_223 = arith.constant 0 : i32
    %dma_wait3A_224 = tpu.memref_slice %arg4[%dma_wait3A_217, %dma_wait3A_222, %dma_wait3A_223] : memref<16x32x128xf32, #tpu.memory_space<vmem>> -> memref<1x32x128xf32, #tpu.memory_space<vmem>>
    %dma_wait3A_225 = tpu.memref_squeeze %dma_wait3A_224 : memref<1x32x128xf32, #tpu.memory_space<vmem>> -> memref<32x128xf32, #tpu.memory_space<vmem>>
    tpu.wait_dma2 semaphore(%arg5 : memref<!tpu.dma_semaphore, #tpu.memory_space<semaphore_mem>>) src(%arg2 : memref<32x128xf32, #tpu.memory_space<hbm>>) dst(%dma_wait3A_225 : memref<32x128xf32, #tpu.memory_space<vmem>>)
    %dma_wait3A_226 = arith.constant 9 : i32
    %dma_wait3A_227 = arith.constant 0 : i32
    %dma_wait3A_228 = arith.constant 0 : i32
    %dma_wait3A_229 = tpu.memref_slice %arg4[%dma_wait3A_226, %dma_wait3A_227, %dma_wait3A_228] : memref<16x32x128xf32, #tpu.memory_space<vmem>> -> memref<1x32x128xf32, #tpu.memory_space<vmem>>
    %dma_wait3A_230 = tpu.memref_squeeze %dma_wait3A_229 : memref<1x32x128xf32, #tpu.memory_space<vmem>> -> memref<32x128xf32, #tpu.memory_space<vmem>>
    %dma_wait3A_231 = arith.constant 0 : i32
    %dma_wait3A_232 = arith.constant 0 : i32
    %dma_wait3A_233 = tpu.memref_slice %arg4[%dma_wait3A_226, %dma_wait3A_231, %dma_wait3A_232] : memref<16x32x128xf32, #tpu.memory_space<vmem>> -> memref<1x32x128xf32, #tpu.memory_space<vmem>>
    %dma_wait3A_234 = tpu.memref_squeeze %dma_wait3A_233 : memref<1x32x128xf32, #tpu.memory_space<vmem>> -> memref<32x128xf32, #tpu.memory_space<vmem>>
    tpu.wait_dma2 semaphore(%arg5 : memref<!tpu.dma_semaphore, #tpu.memory_space<semaphore_mem>>) src(%arg2 : memref<32x128xf32, #tpu.memory_space<hbm>>) dst(%dma_wait3A_234 : memref<32x128xf32, #tpu.memory_space<vmem>>)
    %dma_wait3A_235 = arith.constant 10 : i32
    %dma_wait3A_236 = arith.constant 0 : i32
    %dma_wait3A_237 = arith.constant 0 : i32
    %dma_wait3A_238 = tpu.memref_slice %arg4[%dma_wait3A_235, %dma_wait3A_236, %dma_wait3A_237] : memref<16x32x128xf32, #tpu.memory_space<vmem>> -> memref<1x32x128xf32, #tpu.memory_space<vmem>>
    %dma_wait3A_239 = tpu.memref_squeeze %dma_wait3A_238 : memref<1x32x128xf32, #tpu.memory_space<vmem>> -> memref<32x128xf32, #tpu.memory_space<vmem>>
    %dma_wait3A_240 = arith.constant 0 : i32
    %dma_wait3A_241 = arith.constant 0 : i32
    %dma_wait3A_242 = tpu.memref_slice %arg4[%dma_wait3A_235, %dma_wait3A_240, %dma_wait3A_241] : memref<16x32x128xf32, #tpu.memory_space<vmem>> -> memref<1x32x128xf32, #tpu.memory_space<vmem>>
    %dma_wait3A_243 = tpu.memref_squeeze %dma_wait3A_242 : memref<1x32x128xf32, #tpu.memory_space<vmem>> -> memref<32x128xf32, #tpu.memory_space<vmem>>
    tpu.wait_dma2 semaphore(%arg5 : memref<!tpu.dma_semaphore, #tpu.memory_space<semaphore_mem>>) src(%arg2 : memref<32x128xf32, #tpu.memory_space<hbm>>) dst(%dma_wait3A_243 : memref<32x128xf32, #tpu.memory_space<vmem>>)
    %dma_wait3A_244 = arith.constant 11 : i32
    %dma_wait3A_245 = arith.constant 0 : i32
    %dma_wait3A_246 = arith.constant 0 : i32
    %dma_wait3A_247 = tpu.memref_slice %arg4[%dma_wait3A_244, %dma_wait3A_245, %dma_wait3A_246] : memref<16x32x128xf32, #tpu.memory_space<vmem>> -> memref<1x32x128xf32, #tpu.memory_space<vmem>>
    %dma_wait3A_248 = tpu.memref_squeeze %dma_wait3A_247 : memref<1x32x128xf32, #tpu.memory_space<vmem>> -> memref<32x128xf32, #tpu.memory_space<vmem>>
    %dma_wait3A_249 = arith.constant 0 : i32
    %dma_wait3A_250 = arith.constant 0 : i32
    %dma_wait3A_251 = tpu.memref_slice %arg4[%dma_wait3A_244, %dma_wait3A_249, %dma_wait3A_250] : memref<16x32x128xf32, #tpu.memory_space<vmem>> -> memref<1x32x128xf32, #tpu.memory_space<vmem>>
    %dma_wait3A_252 = tpu.memref_squeeze %dma_wait3A_251 : memref<1x32x128xf32, #tpu.memory_space<vmem>> -> memref<32x128xf32, #tpu.memory_space<vmem>>
    tpu.wait_dma2 semaphore(%arg5 : memref<!tpu.dma_semaphore, #tpu.memory_space<semaphore_mem>>) src(%arg2 : memref<32x128xf32, #tpu.memory_space<hbm>>) dst(%dma_wait3A_252 : memref<32x128xf32, #tpu.memory_space<vmem>>)
    %dma_wait3A_253 = arith.constant 12 : i32
    %dma_wait3A_254 = arith.constant 0 : i32
    %dma_wait3A_255 = arith.constant 0 : i32
    %dma_wait3A_256 = tpu.memref_slice %arg4[%dma_wait3A_253, %dma_wait3A_254, %dma_wait3A_255] : memref<16x32x128xf32, #tpu.memory_space<vmem>> -> memref<1x32x128xf32, #tpu.memory_space<vmem>>
    %dma_wait3A_257 = tpu.memref_squeeze %dma_wait3A_256 : memref<1x32x128xf32, #tpu.memory_space<vmem>> -> memref<32x128xf32, #tpu.memory_space<vmem>>
    %dma_wait3A_258 = arith.constant 0 : i32
    %dma_wait3A_259 = arith.constant 0 : i32
    %dma_wait3A_260 = tpu.memref_slice %arg4[%dma_wait3A_253, %dma_wait3A_258, %dma_wait3A_259] : memref<16x32x128xf32, #tpu.memory_space<vmem>> -> memref<1x32x128xf32, #tpu.memory_space<vmem>>
    %dma_wait3A_261 = tpu.memref_squeeze %dma_wait3A_260 : memref<1x32x128xf32, #tpu.memory_space<vmem>> -> memref<32x128xf32, #tpu.memory_space<vmem>>
    tpu.wait_dma2 semaphore(%arg5 : memref<!tpu.dma_semaphore, #tpu.memory_space<semaphore_mem>>) src(%arg2 : memref<32x128xf32, #tpu.memory_space<hbm>>) dst(%dma_wait3A_261 : memref<32x128xf32, #tpu.memory_space<vmem>>)
    %dma_wait3A_262 = arith.constant 13 : i32
    %dma_wait3A_263 = arith.constant 0 : i32
    %dma_wait3A_264 = arith.constant 0 : i32
    %dma_wait3A_265 = tpu.memref_slice %arg4[%dma_wait3A_262, %dma_wait3A_263, %dma_wait3A_264] : memref<16x32x128xf32, #tpu.memory_space<vmem>> -> memref<1x32x128xf32, #tpu.memory_space<vmem>>
    %dma_wait3A_266 = tpu.memref_squeeze %dma_wait3A_265 : memref<1x32x128xf32, #tpu.memory_space<vmem>> -> memref<32x128xf32, #tpu.memory_space<vmem>>
    %dma_wait3A_267 = arith.constant 0 : i32
    %dma_wait3A_268 = arith.constant 0 : i32
    %dma_wait3A_269 = tpu.memref_slice %arg4[%dma_wait3A_262, %dma_wait3A_267, %dma_wait3A_268] : memref<16x32x128xf32, #tpu.memory_space<vmem>> -> memref<1x32x128xf32, #tpu.memory_space<vmem>>
    %dma_wait3A_270 = tpu.memref_squeeze %dma_wait3A_269 : memref<1x32x128xf32, #tpu.memory_space<vmem>> -> memref<32x128xf32, #tpu.memory_space<vmem>>
    tpu.wait_dma2 semaphore(%arg5 : memref<!tpu.dma_semaphore, #tpu.memory_space<semaphore_mem>>) src(%arg2 : memref<32x128xf32, #tpu.memory_space<hbm>>) dst(%dma_wait3A_270 : memref<32x128xf32, #tpu.memory_space<vmem>>)
    %dma_wait3A_271 = arith.constant 14 : i32
    %dma_wait3A_272 = arith.constant 0 : i32
    %dma_wait3A_273 = arith.constant 0 : i32
    %dma_wait3A_274 = tpu.memref_slice %arg4[%dma_wait3A_271, %dma_wait3A_272, %dma_wait3A_273] : memref<16x32x128xf32, #tpu.memory_space<vmem>> -> memref<1x32x128xf32, #tpu.memory_space<vmem>>
    %dma_wait3A_275 = tpu.memref_squeeze %dma_wait3A_274 : memref<1x32x128xf32, #tpu.memory_space<vmem>> -> memref<32x128xf32, #tpu.memory_space<vmem>>
    %dma_wait3A_276 = arith.constant 0 : i32
    %dma_wait3A_277 = arith.constant 0 : i32
    %dma_wait3A_278 = tpu.memref_slice %arg4[%dma_wait3A_271, %dma_wait3A_276, %dma_wait3A_277] : memref<16x32x128xf32, #tpu.memory_space<vmem>> -> memref<1x32x128xf32, #tpu.memory_space<vmem>>
    %dma_wait3A_279 = tpu.memref_squeeze %dma_wait3A_278 : memref<1x32x128xf32, #tpu.memory_space<vmem>> -> memref<32x128xf32, #tpu.memory_space<vmem>>
    tpu.wait_dma2 semaphore(%arg5 : memref<!tpu.dma_semaphore, #tpu.memory_space<semaphore_mem>>) src(%arg2 : memref<32x128xf32, #tpu.memory_space<hbm>>) dst(%dma_wait3A_279 : memref<32x128xf32, #tpu.memory_space<vmem>>)
    %dma_wait3A_280 = arith.constant 15 : i32
    %dma_wait3A_281 = arith.constant 0 : i32
    %dma_wait3A_282 = arith.constant 0 : i32
    %dma_wait3A_283 = tpu.memref_slice %arg4[%dma_wait3A_280, %dma_wait3A_281, %dma_wait3A_282] : memref<16x32x128xf32, #tpu.memory_space<vmem>> -> memref<1x32x128xf32, #tpu.memory_space<vmem>>
    %dma_wait3A_284 = tpu.memref_squeeze %dma_wait3A_283 : memref<1x32x128xf32, #tpu.memory_space<vmem>> -> memref<32x128xf32, #tpu.memory_space<vmem>>
    %dma_wait3A_285 = arith.constant 0 : i32
    %dma_wait3A_286 = arith.constant 0 : i32
    %dma_wait3A_287 = tpu.memref_slice %arg4[%dma_wait3A_280, %dma_wait3A_285, %dma_wait3A_286] : memref<16x32x128xf32, #tpu.memory_space<vmem>> -> memref<1x32x128xf32, #tpu.memory_space<vmem>>
    %dma_wait3A_288 = tpu.memref_squeeze %dma_wait3A_287 : memref<1x32x128xf32, #tpu.memory_space<vmem>> -> memref<32x128xf32, #tpu.memory_space<vmem>>
    tpu.wait_dma2 semaphore(%arg5 : memref<!tpu.dma_semaphore, #tpu.memory_space<semaphore_mem>>) src(%arg2 : memref<32x128xf32, #tpu.memory_space<hbm>>) dst(%dma_wait3A_288 : memref<32x128xf32, #tpu.memory_space<vmem>>)
    %add3A_289 = arith.constant 0 : i32
    %add3A_290 = arith.addi %mul3A_2, %add3A_289 : i32
    %dma_start3A_291 = arith.constant 0 : i32
    %dma_start3A_292 = arith.constant 0 : i32
    %dma_start3A_293 = tpu.memref_slice %arg3[%add3A_290, %dma_start3A_291, %dma_start3A_292] : memref<16384x32x128xf32, #tpu.memory_space<hbm>> -> memref<16x32x128xf32, #tpu.memory_space<hbm>>
    %dma_start3A_294 = arith.constant 0 : i32
    %dma_start3A_295 = arith.constant 0 : i32
    %dma_start3A_296 = tpu.memref_slice %arg3[%add3A_290, %dma_start3A_294, %dma_start3A_295] : memref<16384x32x128xf32, #tpu.memory_space<hbm>> -> memref<16x32x128xf32, #tpu.memory_space<hbm>>
    tpu.enqueue_dma source(%arg4 : memref<16x32x128xf32, #tpu.memory_space<vmem>>) target(%dma_start3A_296 : memref<16x32x128xf32, #tpu.memory_space<hbm>>) target_semaphore(%arg6 : memref<!tpu.dma_semaphore, #tpu.memory_space<semaphore_mem>>)
    %add3A_297 = arith.constant 16 : i32
    %add3A_298 = arith.addi %mul3A_2, %add3A_297 : i32
    %dma_start3A_299 = arith.constant 0 : i32
    %dma_start3A_300 = arith.constant 0 : i32
    %dma_start3A_301 = tpu.memref_slice %arg3[%add3A_298, %dma_start3A_299, %dma_start3A_300] : memref<16384x32x128xf32, #tpu.memory_space<hbm>> -> memref<16x32x128xf32, #tpu.memory_space<hbm>>
    %dma_start3A_302 = arith.constant 0 : i32
    %dma_start3A_303 = arith.constant 0 : i32
    %dma_start3A_304 = tpu.memref_slice %arg3[%add3A_298, %dma_start3A_302, %dma_start3A_303] : memref<16384x32x128xf32, #tpu.memory_space<hbm>> -> memref<16x32x128xf32, #tpu.memory_space<hbm>>
    tpu.enqueue_dma source(%arg4 : memref<16x32x128xf32, #tpu.memory_space<vmem>>) target(%dma_start3A_304 : memref<16x32x128xf32, #tpu.memory_space<hbm>>) target_semaphore(%arg6 : memref<!tpu.dma_semaphore, #tpu.memory_space<semaphore_mem>>)
    %add3A_305 = arith.constant 32 : i32
    %add3A_306 = arith.addi %mul3A_2, %add3A_305 : i32
    %dma_start3A_307 = arith.constant 0 : i32
    %dma_start3A_308 = arith.constant 0 : i32
    %dma_start3A_309 = tpu.memref_slice %arg3[%add3A_306, %dma_start3A_307, %dma_start3A_308] : memref<16384x32x128xf32, #tpu.memory_space<hbm>> -> memref<16x32x128xf32, #tpu.memory_space<hbm>>
    %dma_start3A_310 = arith.constant 0 : i32
    %dma_start3A_311 = arith.constant 0 : i32
    %dma_start3A_312 = tpu.memref_slice %arg3[%add3A_306, %dma_start3A_310, %dma_start3A_311] : memref<16384x32x128xf32, #tpu.memory_space<hbm>> -> memref<16x32x128xf32, #tpu.memory_space<hbm>>
    tpu.enqueue_dma source(%arg4 : memref<16x32x128xf32, #tpu.memory_space<vmem>>) target(%dma_start3A_312 : memref<16x32x128xf32, #tpu.memory_space<hbm>>) target_semaphore(%arg6 : memref<!tpu.dma_semaphore, #tpu.memory_space<semaphore_mem>>)
    %add3A_313 = arith.constant 48 : i32
    %add3A_314 = arith.addi %mul3A_2, %add3A_313 : i32
    %dma_start3A_315 = arith.constant 0 : i32
    %dma_start3A_316 = arith.constant 0 : i32
    %dma_start3A_317 = tpu.memref_slice %arg3[%add3A_314, %dma_start3A_315, %dma_start3A_316] : memref<16384x32x128xf32, #tpu.memory_space<hbm>> -> memref<16x32x128xf32, #tpu.memory_space<hbm>>
    %dma_start3A_318 = arith.constant 0 : i32
    %dma_start3A_319 = arith.constant 0 : i32
    %dma_start3A_320 = tpu.memref_slice %arg3[%add3A_314, %dma_start3A_318, %dma_start3A_319] : memref<16384x32x128xf32, #tpu.memory_space<hbm>> -> memref<16x32x128xf32, #tpu.memory_space<hbm>>
    tpu.enqueue_dma source(%arg4 : memref<16x32x128xf32, #tpu.memory_space<vmem>>) target(%dma_start3A_320 : memref<16x32x128xf32, #tpu.memory_space<hbm>>) target_semaphore(%arg6 : memref<!tpu.dma_semaphore, #tpu.memory_space<semaphore_mem>>)
    %add3A_321 = arith.constant 64 : i32
    %add3A_322 = arith.addi %mul3A_2, %add3A_321 : i32
    %dma_start3A_323 = arith.constant 0 : i32
    %dma_start3A_324 = arith.constant 0 : i32
    %dma_start3A_325 = tpu.memref_slice %arg3[%add3A_322, %dma_start3A_323, %dma_start3A_324] : memref<16384x32x128xf32, #tpu.memory_space<hbm>> -> memref<16x32x128xf32, #tpu.memory_space<hbm>>
    %dma_start3A_326 = arith.constant 0 : i32
    %dma_start3A_327 = arith.constant 0 : i32
    %dma_start3A_328 = tpu.memref_slice %arg3[%add3A_322, %dma_start3A_326, %dma_start3A_327] : memref<16384x32x128xf32, #tpu.memory_space<hbm>> -> memref<16x32x128xf32, #tpu.memory_space<hbm>>
    tpu.enqueue_dma source(%arg4 : memref<16x32x128xf32, #tpu.memory_space<vmem>>) target(%dma_start3A_328 : memref<16x32x128xf32, #tpu.memory_space<hbm>>) target_semaphore(%arg6 : memref<!tpu.dma_semaphore, #tpu.memory_space<semaphore_mem>>)
    %add3A_329 = arith.constant 80 : i32
    %add3A_330 = arith.addi %mul3A_2, %add3A_329 : i32
    %dma_start3A_331 = arith.constant 0 : i32
    %dma_start3A_332 = arith.constant 0 : i32
    %dma_start3A_333 = tpu.memref_slice %arg3[%add3A_330, %dma_start3A_331, %dma_start3A_332] : memref<16384x32x128xf32, #tpu.memory_space<hbm>> -> memref<16x32x128xf32, #tpu.memory_space<hbm>>
    %dma_start3A_334 = arith.constant 0 : i32
    %dma_start3A_335 = arith.constant 0 : i32
    %dma_start3A_336 = tpu.memref_slice %arg3[%add3A_330, %dma_start3A_334, %dma_start3A_335] : memref<16384x32x128xf32, #tpu.memory_space<hbm>> -> memref<16x32x128xf32, #tpu.memory_space<hbm>>
    tpu.enqueue_dma source(%arg4 : memref<16x32x128xf32, #tpu.memory_space<vmem>>) target(%dma_start3A_336 : memref<16x32x128xf32, #tpu.memory_space<hbm>>) target_semaphore(%arg6 : memref<!tpu.dma_semaphore, #tpu.memory_space<semaphore_mem>>)
    %add3A_337 = arith.constant 96 : i32
    %add3A_338 = arith.addi %mul3A_2, %add3A_337 : i32
    %dma_start3A_339 = arith.constant 0 : i32
    %dma_start3A_340 = arith.constant 0 : i32
    %dma_start3A_341 = tpu.memref_slice %arg3[%add3A_338, %dma_start3A_339, %dma_start3A_340] : memref<16384x32x128xf32, #tpu.memory_space<hbm>> -> memref<16x32x128xf32, #tpu.memory_space<hbm>>
    %dma_start3A_342 = arith.constant 0 : i32
    %dma_start3A_343 = arith.constant 0 : i32
    %dma_start3A_344 = tpu.memref_slice %arg3[%add3A_338, %dma_start3A_342, %dma_start3A_343] : memref<16384x32x128xf32, #tpu.memory_space<hbm>> -> memref<16x32x128xf32, #tpu.memory_space<hbm>>
    tpu.enqueue_dma source(%arg4 : memref<16x32x128xf32, #tpu.memory_space<vmem>>) target(%dma_start3A_344 : memref<16x32x128xf32, #tpu.memory_space<hbm>>) target_semaphore(%arg6 : memref<!tpu.dma_semaphore, #tpu.memory_space<semaphore_mem>>)
    %add3A_345 = arith.constant 112 : i32
    %add3A_346 = arith.addi %mul3A_2, %add3A_345 : i32
    %dma_start3A_347 = arith.constant 0 : i32
    %dma_start3A_348 = arith.constant 0 : i32
    %dma_start3A_349 = tpu.memref_slice %arg3[%add3A_346, %dma_start3A_347, %dma_start3A_348] : memref<16384x32x128xf32, #tpu.memory_space<hbm>> -> memref<16x32x128xf32, #tpu.memory_space<hbm>>
    %dma_start3A_350 = arith.constant 0 : i32
    %dma_start3A_351 = arith.constant 0 : i32
    %dma_start3A_352 = tpu.memref_slice %arg3[%add3A_346, %dma_start3A_350, %dma_start3A_351] : memref<16384x32x128xf32, #tpu.memory_space<hbm>> -> memref<16x32x128xf32, #tpu.memory_space<hbm>>
    tpu.enqueue_dma source(%arg4 : memref<16x32x128xf32, #tpu.memory_space<vmem>>) target(%dma_start3A_352 : memref<16x32x128xf32, #tpu.memory_space<hbm>>) target_semaphore(%arg6 : memref<!tpu.dma_semaphore, #tpu.memory_space<semaphore_mem>>)
    %add3A_353 = arith.constant 128 : i32
    %add3A_354 = arith.addi %mul3A_2, %add3A_353 : i32
    %dma_start3A_355 = arith.constant 0 : i32
    %dma_start3A_356 = arith.constant 0 : i32
    %dma_start3A_357 = tpu.memref_slice %arg3[%add3A_354, %dma_start3A_355, %dma_start3A_356] : memref<16384x32x128xf32, #tpu.memory_space<hbm>> -> memref<16x32x128xf32, #tpu.memory_space<hbm>>
    %dma_start3A_358 = arith.constant 0 : i32
    %dma_start3A_359 = arith.constant 0 : i32
    %dma_start3A_360 = tpu.memref_slice %arg3[%add3A_354, %dma_start3A_358, %dma_start3A_359] : memref<16384x32x128xf32, #tpu.memory_space<hbm>> -> memref<16x32x128xf32, #tpu.memory_space<hbm>>
    tpu.enqueue_dma source(%arg4 : memref<16x32x128xf32, #tpu.memory_space<vmem>>) target(%dma_start3A_360 : memref<16x32x128xf32, #tpu.memory_space<hbm>>) target_semaphore(%arg6 : memref<!tpu.dma_semaphore, #tpu.memory_space<semaphore_mem>>)
    %add3A_361 = arith.constant 144 : i32
    %add3A_362 = arith.addi %mul3A_2, %add3A_361 : i32
    %dma_start3A_363 = arith.constant 0 : i32
    %dma_start3A_364 = arith.constant 0 : i32
    %dma_start3A_365 = tpu.memref_slice %arg3[%add3A_362, %dma_start3A_363, %dma_start3A_364] : memref<16384x32x128xf32, #tpu.memory_space<hbm>> -> memref<16x32x128xf32, #tpu.memory_space<hbm>>
    %dma_start3A_366 = arith.constant 0 : i32
    %dma_start3A_367 = arith.constant 0 : i32
    %dma_start3A_368 = tpu.memref_slice %arg3[%add3A_362, %dma_start3A_366, %dma_start3A_367] : memref<16384x32x128xf32, #tpu.memory_space<hbm>> -> memref<16x32x128xf32, #tpu.memory_space<hbm>>
    tpu.enqueue_dma source(%arg4 : memref<16x32x128xf32, #tpu.memory_space<vmem>>) target(%dma_start3A_368 : memref<16x32x128xf32, #tpu.memory_space<hbm>>) target_semaphore(%arg6 : memref<!tpu.dma_semaphore, #tpu.memory_space<semaphore_mem>>)
    %add3A_369 = arith.constant 160 : i32
    %add3A_370 = arith.addi %mul3A_2, %add3A_369 : i32
    %dma_start3A_371 = arith.constant 0 : i32
    %dma_start3A_372 = arith.constant 0 : i32
    %dma_start3A_373 = tpu.memref_slice %arg3[%add3A_370, %dma_start3A_371, %dma_start3A_372] : memref<16384x32x128xf32, #tpu.memory_space<hbm>> -> memref<16x32x128xf32, #tpu.memory_space<hbm>>
    %dma_start3A_374 = arith.constant 0 : i32
    %dma_start3A_375 = arith.constant 0 : i32
    %dma_start3A_376 = tpu.memref_slice %arg3[%add3A_370, %dma_start3A_374, %dma_start3A_375] : memref<16384x32x128xf32, #tpu.memory_space<hbm>> -> memref<16x32x128xf32, #tpu.memory_space<hbm>>
    tpu.enqueue_dma source(%arg4 : memref<16x32x128xf32, #tpu.memory_space<vmem>>) target(%dma_start3A_376 : memref<16x32x128xf32, #tpu.memory_space<hbm>>) target_semaphore(%arg6 : memref<!tpu.dma_semaphore, #tpu.memory_space<semaphore_mem>>)
    %add3A_377 = arith.constant 176 : i32
    %add3A_378 = arith.addi %mul3A_2, %add3A_377 : i32
    %dma_start3A_379 = arith.constant 0 : i32
    %dma_start3A_380 = arith.constant 0 : i32
    %dma_start3A_381 = tpu.memref_slice %arg3[%add3A_378, %dma_start3A_379, %dma_start3A_380] : memref<16384x32x128xf32, #tpu.memory_space<hbm>> -> memref<16x32x128xf32, #tpu.memory_space<hbm>>
    %dma_start3A_382 = arith.constant 0 : i32
    %dma_start3A_383 = arith.constant 0 : i32
    %dma_start3A_384 = tpu.memref_slice %arg3[%add3A_378, %dma_start3A_382, %dma_start3A_383] : memref<16384x32x128xf32, #tpu.memory_space<hbm>> -> memref<16x32x128xf32, #tpu.memory_space<hbm>>
    tpu.enqueue_dma source(%arg4 : memref<16x32x128xf32, #tpu.memory_space<vmem>>) target(%dma_start3A_384 : memref<16x32x128xf32, #tpu.memory_space<hbm>>) target_semaphore(%arg6 : memref<!tpu.dma_semaphore, #tpu.memory_space<semaphore_mem>>)
    %add3A_385 = arith.constant 192 : i32
    %add3A_386 = arith.addi %mul3A_2, %add3A_385 : i32
    %dma_start3A_387 = arith.constant 0 : i32
    %dma_start3A_388 = arith.constant 0 : i32
    %dma_start3A_389 = tpu.memref_slice %arg3[%add3A_386, %dma_start3A_387, %dma_start3A_388] : memref<16384x32x128xf32, #tpu.memory_space<hbm>> -> memref<16x32x128xf32, #tpu.memory_space<hbm>>
    %dma_start3A_390 = arith.constant 0 : i32
    %dma_start3A_391 = arith.constant 0 : i32
    %dma_start3A_392 = tpu.memref_slice %arg3[%add3A_386, %dma_start3A_390, %dma_start3A_391] : memref<16384x32x128xf32, #tpu.memory_space<hbm>> -> memref<16x32x128xf32, #tpu.memory_space<hbm>>
    tpu.enqueue_dma source(%arg4 : memref<16x32x128xf32, #tpu.memory_space<vmem>>) target(%dma_start3A_392 : memref<16x32x128xf32, #tpu.memory_space<hbm>>) target_semaphore(%arg6 : memref<!tpu.dma_semaphore, #tpu.memory_space<semaphore_mem>>)
    %add3A_393 = arith.constant 208 : i32
    %add3A_394 = arith.addi %mul3A_2, %add3A_393 : i32
    %dma_start3A_395 = arith.constant 0 : i32
    %dma_start3A_396 = arith.constant 0 : i32
    %dma_start3A_397 = tpu.memref_slice %arg3[%add3A_394, %dma_start3A_395, %dma_start3A_396] : memref<16384x32x128xf32, #tpu.memory_space<hbm>> -> memref<16x32x128xf32, #tpu.memory_space<hbm>>
    %dma_start3A_398 = arith.constant 0 : i32
    %dma_start3A_399 = arith.constant 0 : i32
    %dma_start3A_400 = tpu.memref_slice %arg3[%add3A_394, %dma_start3A_398, %dma_start3A_399] : memref<16384x32x128xf32, #tpu.memory_space<hbm>> -> memref<16x32x128xf32, #tpu.memory_space<hbm>>
    tpu.enqueue_dma source(%arg4 : memref<16x32x128xf32, #tpu.memory_space<vmem>>) target(%dma_start3A_400 : memref<16x32x128xf32, #tpu.memory_space<hbm>>) target_semaphore(%arg6 : memref<!tpu.dma_semaphore, #tpu.memory_space<semaphore_mem>>)
    %add3A_401 = arith.constant 224 : i32
    %add3A_402 = arith.addi %mul3A_2, %add3A_401 : i32
    %dma_start3A_403 = arith.constant 0 : i32
    %dma_start3A_404 = arith.constant 0 : i32
    %dma_start3A_405 = tpu.memref_slice %arg3[%add3A_402, %dma_start3A_403, %dma_start3A_404] : memref<16384x32x128xf32, #tpu.memory_space<hbm>> -> memref<16x32x128xf32, #tpu.memory_space<hbm>>
    %dma_start3A_406 = arith.constant 0 : i32
    %dma_start3A_407 = arith.constant 0 : i32
    %dma_start3A_408 = tpu.memref_slice %arg3[%add3A_402, %dma_start3A_406, %dma_start3A_407] : memref<16384x32x128xf32, #tpu.memory_space<hbm>> -> memref<16x32x128xf32, #tpu.memory_space<hbm>>
    tpu.enqueue_dma source(%arg4 : memref<16x32x128xf32, #tpu.memory_space<vmem>>) target(%dma_start3A_408 : memref<16x32x128xf32, #tpu.memory_space<hbm>>) target_semaphore(%arg6 : memref<!tpu.dma_semaphore, #tpu.memory_space<semaphore_mem>>)
    %add3A_409 = arith.constant 240 : i32
    %add3A_410 = arith.addi %mul3A_2, %add3A_409 : i32
    %dma_start3A_411 = arith.constant 0 : i32
    %dma_start3A_412 = arith.constant 0 : i32
    %dma_start3A_413 = tpu.memref_slice %arg3[%add3A_410, %dma_start3A_411, %dma_start3A_412] : memref<16384x32x128xf32, #tpu.memory_space<hbm>> -> memref<16x32x128xf32, #tpu.memory_space<hbm>>
    %dma_start3A_414 = arith.constant 0 : i32
    %dma_start3A_415 = arith.constant 0 : i32
    %dma_start3A_416 = tpu.memref_slice %arg3[%add3A_410, %dma_start3A_414, %dma_start3A_415] : memref<16384x32x128xf32, #tpu.memory_space<hbm>> -> memref<16x32x128xf32, #tpu.memory_space<hbm>>
    tpu.enqueue_dma source(%arg4 : memref<16x32x128xf32, #tpu.memory_space<vmem>>) target(%dma_start3A_416 : memref<16x32x128xf32, #tpu.memory_space<hbm>>) target_semaphore(%arg6 : memref<!tpu.dma_semaphore, #tpu.memory_space<semaphore_mem>>)
    %add3A_417 = arith.constant 256 : i32
    %add3A_418 = arith.addi %mul3A_2, %add3A_417 : i32
    %dma_start3A_419 = arith.constant 0 : i32
    %dma_start3A_420 = arith.constant 0 : i32
    %dma_start3A_421 = tpu.memref_slice %arg3[%add3A_418, %dma_start3A_419, %dma_start3A_420] : memref<16384x32x128xf32, #tpu.memory_space<hbm>> -> memref<16x32x128xf32, #tpu.memory_space<hbm>>
    %dma_start3A_422 = arith.constant 0 : i32
    %dma_start3A_423 = arith.constant 0 : i32
    %dma_start3A_424 = tpu.memref_slice %arg3[%add3A_418, %dma_start3A_422, %dma_start3A_423] : memref<16384x32x128xf32, #tpu.memory_space<hbm>> -> memref<16x32x128xf32, #tpu.memory_space<hbm>>
    tpu.enqueue_dma source(%arg4 : memref<16x32x128xf32, #tpu.memory_space<vmem>>) target(%dma_start3A_424 : memref<16x32x128xf32, #tpu.memory_space<hbm>>) target_semaphore(%arg6 : memref<!tpu.dma_semaphore, #tpu.memory_space<semaphore_mem>>)
    %add3A_425 = arith.constant 272 : i32
    %add3A_426 = arith.addi %mul3A_2, %add3A_425 : i32
    %dma_start3A_427 = arith.constant 0 : i32
    %dma_start3A_428 = arith.constant 0 : i32
    %dma_start3A_429 = tpu.memref_slice %arg3[%add3A_426, %dma_start3A_427, %dma_start3A_428] : memref<16384x32x128xf32, #tpu.memory_space<hbm>> -> memref<16x32x128xf32, #tpu.memory_space<hbm>>
    %dma_start3A_430 = arith.constant 0 : i32
    %dma_start3A_431 = arith.constant 0 : i32
    %dma_start3A_432 = tpu.memref_slice %arg3[%add3A_426, %dma_start3A_430, %dma_start3A_431] : memref<16384x32x128xf32, #tpu.memory_space<hbm>> -> memref<16x32x128xf32, #tpu.memory_space<hbm>>
    tpu.enqueue_dma source(%arg4 : memref<16x32x128xf32, #tpu.memory_space<vmem>>) target(%dma_start3A_432 : memref<16x32x128xf32, #tpu.memory_space<hbm>>) target_semaphore(%arg6 : memref<!tpu.dma_semaphore, #tpu.memory_space<semaphore_mem>>)
    %add3A_433 = arith.constant 288 : i32
    %add3A_434 = arith.addi %mul3A_2, %add3A_433 : i32
    %dma_start3A_435 = arith.constant 0 : i32
    %dma_start3A_436 = arith.constant 0 : i32
    %dma_start3A_437 = tpu.memref_slice %arg3[%add3A_434, %dma_start3A_435, %dma_start3A_436] : memref<16384x32x128xf32, #tpu.memory_space<hbm>> -> memref<16x32x128xf32, #tpu.memory_space<hbm>>
    %dma_start3A_438 = arith.constant 0 : i32
    %dma_start3A_439 = arith.constant 0 : i32
    %dma_start3A_440 = tpu.memref_slice %arg3[%add3A_434, %dma_start3A_438, %dma_start3A_439] : memref<16384x32x128xf32, #tpu.memory_space<hbm>> -> memref<16x32x128xf32, #tpu.memory_space<hbm>>
    tpu.enqueue_dma source(%arg4 : memref<16x32x128xf32, #tpu.memory_space<vmem>>) target(%dma_start3A_440 : memref<16x32x128xf32, #tpu.memory_space<hbm>>) target_semaphore(%arg6 : memref<!tpu.dma_semaphore, #tpu.memory_space<semaphore_mem>>)
    %add3A_441 = arith.constant 304 : i32
    %add3A_442 = arith.addi %mul3A_2, %add3A_441 : i32
    %dma_start3A_443 = arith.constant 0 : i32
    %dma_start3A_444 = arith.constant 0 : i32
    %dma_start3A_445 = tpu.memref_slice %arg3[%add3A_442, %dma_start3A_443, %dma_start3A_444] : memref<16384x32x128xf32, #tpu.memory_space<hbm>> -> memref<16x32x128xf32, #tpu.memory_space<hbm>>
    %dma_start3A_446 = arith.constant 0 : i32
    %dma_start3A_447 = arith.constant 0 : i32
    %dma_start3A_448 = tpu.memref_slice %arg3[%add3A_442, %dma_start3A_446, %dma_start3A_447] : memref<16384x32x128xf32, #tpu.memory_space<hbm>> -> memref<16x32x128xf32, #tpu.memory_space<hbm>>
    tpu.enqueue_dma source(%arg4 : memref<16x32x128xf32, #tpu.memory_space<vmem>>) target(%dma_start3A_448 : memref<16x32x128xf32, #tpu.memory_space<hbm>>) target_semaphore(%arg6 : memref<!tpu.dma_semaphore, #tpu.memory_space<semaphore_mem>>)
    %add3A_449 = arith.constant 320 : i32
    %add3A_450 = arith.addi %mul3A_2, %add3A_449 : i32
    %dma_start3A_451 = arith.constant 0 : i32
    %dma_start3A_452 = arith.constant 0 : i32
    %dma_start3A_453 = tpu.memref_slice %arg3[%add3A_450, %dma_start3A_451, %dma_start3A_452] : memref<16384x32x128xf32, #tpu.memory_space<hbm>> -> memref<16x32x128xf32, #tpu.memory_space<hbm>>
    %dma_start3A_454 = arith.constant 0 : i32
    %dma_start3A_455 = arith.constant 0 : i32
    %dma_start3A_456 = tpu.memref_slice %arg3[%add3A_450, %dma_start3A_454, %dma_start3A_455] : memref<16384x32x128xf32, #tpu.memory_space<hbm>> -> memref<16x32x128xf32, #tpu.memory_space<hbm>>
    tpu.enqueue_dma source(%arg4 : memref<16x32x128xf32, #tpu.memory_space<vmem>>) target(%dma_start3A_456 : memref<16x32x128xf32, #tpu.memory_space<hbm>>) target_semaphore(%arg6 : memref<!tpu.dma_semaphore, #tpu.memory_space<semaphore_mem>>)
    %add3A_457 = arith.constant 336 : i32
    %add3A_458 = arith.addi %mul3A_2, %add3A_457 : i32
    %dma_start3A_459 = arith.constant 0 : i32
    %dma_start3A_460 = arith.constant 0 : i32
    %dma_start3A_461 = tpu.memref_slice %arg3[%add3A_458, %dma_start3A_459, %dma_start3A_460] : memref<16384x32x128xf32, #tpu.memory_space<hbm>> -> memref<16x32x128xf32, #tpu.memory_space<hbm>>
    %dma_start3A_462 = arith.constant 0 : i32
    %dma_start3A_463 = arith.constant 0 : i32
    %dma_start3A_464 = tpu.memref_slice %arg3[%add3A_458, %dma_start3A_462, %dma_start3A_463] : memref<16384x32x128xf32, #tpu.memory_space<hbm>> -> memref<16x32x128xf32, #tpu.memory_space<hbm>>
    tpu.enqueue_dma source(%arg4 : memref<16x32x128xf32, #tpu.memory_space<vmem>>) target(%dma_start3A_464 : memref<16x32x128xf32, #tpu.memory_space<hbm>>) target_semaphore(%arg6 : memref<!tpu.dma_semaphore, #tpu.memory_space<semaphore_mem>>)
    %add3A_465 = arith.constant 352 : i32
    %add3A_466 = arith.addi %mul3A_2, %add3A_465 : i32
    %dma_start3A_467 = arith.constant 0 : i32
    %dma_start3A_468 = arith.constant 0 : i32
    %dma_start3A_469 = tpu.memref_slice %arg3[%add3A_466, %dma_start3A_467, %dma_start3A_468] : memref<16384x32x128xf32, #tpu.memory_space<hbm>> -> memref<16x32x128xf32, #tpu.memory_space<hbm>>
    %dma_start3A_470 = arith.constant 0 : i32
    %dma_start3A_471 = arith.constant 0 : i32
    %dma_start3A_472 = tpu.memref_slice %arg3[%add3A_466, %dma_start3A_470, %dma_start3A_471] : memref<16384x32x128xf32, #tpu.memory_space<hbm>> -> memref<16x32x128xf32, #tpu.memory_space<hbm>>
    tpu.enqueue_dma source(%arg4 : memref<16x32x128xf32, #tpu.memory_space<vmem>>) target(%dma_start3A_472 : memref<16x32x128xf32, #tpu.memory_space<hbm>>) target_semaphore(%arg6 : memref<!tpu.dma_semaphore, #tpu.memory_space<semaphore_mem>>)
    %add3A_473 = arith.constant 368 : i32
    %add3A_474 = arith.addi %mul3A_2, %add3A_473 : i32
    %dma_start3A_475 = arith.constant 0 : i32
    %dma_start3A_476 = arith.constant 0 : i32
    %dma_start3A_477 = tpu.memref_slice %arg3[%add3A_474, %dma_start3A_475, %dma_start3A_476] : memref<16384x32x128xf32, #tpu.memory_space<hbm>> -> memref<16x32x128xf32, #tpu.memory_space<hbm>>
    %dma_start3A_478 = arith.constant 0 : i32
    %dma_start3A_479 = arith.constant 0 : i32
    %dma_start3A_480 = tpu.memref_slice %arg3[%add3A_474, %dma_start3A_478, %dma_start3A_479] : memref<16384x32x128xf32, #tpu.memory_space<hbm>> -> memref<16x32x128xf32, #tpu.memory_space<hbm>>
    tpu.enqueue_dma source(%arg4 : memref<16x32x128xf32, #tpu.memory_space<vmem>>) target(%dma_start3A_480 : memref<16x32x128xf32, #tpu.memory_space<hbm>>) target_semaphore(%arg6 : memref<!tpu.dma_semaphore, #tpu.memory_space<semaphore_mem>>)
    %add3A_481 = arith.constant 384 : i32
    %add3A_482 = arith.addi %mul3A_2, %add3A_481 : i32
    %dma_start3A_483 = arith.constant 0 : i32
    %dma_start3A_484 = arith.constant 0 : i32
    %dma_start3A_485 = tpu.memref_slice %arg3[%add3A_482, %dma_start3A_483, %dma_start3A_484] : memref<16384x32x128xf32, #tpu.memory_space<hbm>> -> memref<16x32x128xf32, #tpu.memory_space<hbm>>
    %dma_start3A_486 = arith.constant 0 : i32
    %dma_start3A_487 = arith.constant 0 : i32
    %dma_start3A_488 = tpu.memref_slice %arg3[%add3A_482, %dma_start3A_486, %dma_start3A_487] : memref<16384x32x128xf32, #tpu.memory_space<hbm>> -> memref<16x32x128xf32, #tpu.memory_space<hbm>>
    tpu.enqueue_dma source(%arg4 : memref<16x32x128xf32, #tpu.memory_space<vmem>>) target(%dma_start3A_488 : memref<16x32x128xf32, #tpu.memory_space<hbm>>) target_semaphore(%arg6 : memref<!tpu.dma_semaphore, #tpu.memory_space<semaphore_mem>>)
    %add3A_489 = arith.constant 400 : i32
    %add3A_490 = arith.addi %mul3A_2, %add3A_489 : i32
    %dma_start3A_491 = arith.constant 0 : i32
    %dma_start3A_492 = arith.constant 0 : i32
    %dma_start3A_493 = tpu.memref_slice %arg3[%add3A_490, %dma_start3A_491, %dma_start3A_492] : memref<16384x32x128xf32, #tpu.memory_space<hbm>> -> memref<16x32x128xf32, #tpu.memory_space<hbm>>
    %dma_start3A_494 = arith.constant 0 : i32
    %dma_start3A_495 = arith.constant 0 : i32
    %dma_start3A_496 = tpu.memref_slice %arg3[%add3A_490, %dma_start3A_494, %dma_start3A_495] : memref<16384x32x128xf32, #tpu.memory_space<hbm>> -> memref<16x32x128xf32, #tpu.memory_space<hbm>>
    tpu.enqueue_dma source(%arg4 : memref<16x32x128xf32, #tpu.memory_space<vmem>>) target(%dma_start3A_496 : memref<16x32x128xf32, #tpu.memory_space<hbm>>) target_semaphore(%arg6 : memref<!tpu.dma_semaphore, #tpu.memory_space<semaphore_mem>>)
    %add3A_497 = arith.constant 416 : i32
    %add3A_498 = arith.addi %mul3A_2, %add3A_497 : i32
    %dma_start3A_499 = arith.constant 0 : i32
    %dma_start3A_500 = arith.constant 0 : i32
    %dma_start3A_501 = tpu.memref_slice %arg3[%add3A_498, %dma_start3A_499, %dma_start3A_500] : memref<16384x32x128xf32, #tpu.memory_space<hbm>> -> memref<16x32x128xf32, #tpu.memory_space<hbm>>
    %dma_start3A_502 = arith.constant 0 : i32
    %dma_start3A_503 = arith.constant 0 : i32
    %dma_start3A_504 = tpu.memref_slice %arg3[%add3A_498, %dma_start3A_502, %dma_start3A_503] : memref<16384x32x128xf32, #tpu.memory_space<hbm>> -> memref<16x32x128xf32, #tpu.memory_space<hbm>>
    tpu.enqueue_dma source(%arg4 : memref<16x32x128xf32, #tpu.memory_space<vmem>>) target(%dma_start3A_504 : memref<16x32x128xf32, #tpu.memory_space<hbm>>) target_semaphore(%arg6 : memref<!tpu.dma_semaphore, #tpu.memory_space<semaphore_mem>>)
    %add3A_505 = arith.constant 432 : i32
    %add3A_506 = arith.addi %mul3A_2, %add3A_505 : i32
    %dma_start3A_507 = arith.constant 0 : i32
    %dma_start3A_508 = arith.constant 0 : i32
    %dma_start3A_509 = tpu.memref_slice %arg3[%add3A_506, %dma_start3A_507, %dma_start3A_508] : memref<16384x32x128xf32, #tpu.memory_space<hbm>> -> memref<16x32x128xf32, #tpu.memory_space<hbm>>
    %dma_start3A_510 = arith.constant 0 : i32
    %dma_start3A_511 = arith.constant 0 : i32
    %dma_start3A_512 = tpu.memref_slice %arg3[%add3A_506, %dma_start3A_510, %dma_start3A_511] : memref<16384x32x128xf32, #tpu.memory_space<hbm>> -> memref<16x32x128xf32, #tpu.memory_space<hbm>>
    tpu.enqueue_dma source(%arg4 : memref<16x32x128xf32, #tpu.memory_space<vmem>>) target(%dma_start3A_512 : memref<16x32x128xf32, #tpu.memory_space<hbm>>) target_semaphore(%arg6 : memref<!tpu.dma_semaphore, #tpu.memory_space<semaphore_mem>>)
    %add3A_513 = arith.constant 448 : i32
    %add3A_514 = arith.addi %mul3A_2, %add3A_513 : i32
    %dma_start3A_515 = arith.constant 0 : i32
    %dma_start3A_516 = arith.constant 0 : i32
    %dma_start3A_517 = tpu.memref_slice %arg3[%add3A_514, %dma_start3A_515, %dma_start3A_516] : memref<16384x32x128xf32, #tpu.memory_space<hbm>> -> memref<16x32x128xf32, #tpu.memory_space<hbm>>
    %dma_start3A_518 = arith.constant 0 : i32
    %dma_start3A_519 = arith.constant 0 : i32
    %dma_start3A_520 = tpu.memref_slice %arg3[%add3A_514, %dma_start3A_518, %dma_start3A_519] : memref<16384x32x128xf32, #tpu.memory_space<hbm>> -> memref<16x32x128xf32, #tpu.memory_space<hbm>>
    tpu.enqueue_dma source(%arg4 : memref<16x32x128xf32, #tpu.memory_space<vmem>>) target(%dma_start3A_520 : memref<16x32x128xf32, #tpu.memory_space<hbm>>) target_semaphore(%arg6 : memref<!tpu.dma_semaphore, #tpu.memory_space<semaphore_mem>>)
    %add3A_521 = arith.constant 464 : i32
    %add3A_522 = arith.addi %mul3A_2, %add3A_521 : i32
    %dma_start3A_523 = arith.constant 0 : i32
    %dma_start3A_524 = arith.constant 0 : i32
    %dma_start3A_525 = tpu.memref_slice %arg3[%add3A_522, %dma_start3A_523, %dma_start3A_524] : memref<16384x32x128xf32, #tpu.memory_space<hbm>> -> memref<16x32x128xf32, #tpu.memory_space<hbm>>
    %dma_start3A_526 = arith.constant 0 : i32
    %dma_start3A_527 = arith.constant 0 : i32
    %dma_start3A_528 = tpu.memref_slice %arg3[%add3A_522, %dma_start3A_526, %dma_start3A_527] : memref<16384x32x128xf32, #tpu.memory_space<hbm>> -> memref<16x32x128xf32, #tpu.memory_space<hbm>>
    tpu.enqueue_dma source(%arg4 : memref<16x32x128xf32, #tpu.memory_space<vmem>>) target(%dma_start3A_528 : memref<16x32x128xf32, #tpu.memory_space<hbm>>) target_semaphore(%arg6 : memref<!tpu.dma_semaphore, #tpu.memory_space<semaphore_mem>>)
    %add3A_529 = arith.constant 480 : i32
    %add3A_530 = arith.addi %mul3A_2, %add3A_529 : i32
    %dma_start3A_531 = arith.constant 0 : i32
    %dma_start3A_532 = arith.constant 0 : i32
    %dma_start3A_533 = tpu.memref_slice %arg3[%add3A_530, %dma_start3A_531, %dma_start3A_532] : memref<16384x32x128xf32, #tpu.memory_space<hbm>> -> memref<16x32x128xf32, #tpu.memory_space<hbm>>
    %dma_start3A_534 = arith.constant 0 : i32
    %dma_start3A_535 = arith.constant 0 : i32
    %dma_start3A_536 = tpu.memref_slice %arg3[%add3A_530, %dma_start3A_534, %dma_start3A_535] : memref<16384x32x128xf32, #tpu.memory_space<hbm>> -> memref<16x32x128xf32, #tpu.memory_space<hbm>>
    tpu.enqueue_dma source(%arg4 : memref<16x32x128xf32, #tpu.memory_space<vmem>>) target(%dma_start3A_536 : memref<16x32x128xf32, #tpu.memory_space<hbm>>) target_semaphore(%arg6 : memref<!tpu.dma_semaphore, #tpu.memory_space<semaphore_mem>>)
    %add3A_537 = arith.constant 496 : i32
    %add3A_538 = arith.addi %mul3A_2, %add3A_537 : i32
    %dma_start3A_539 = arith.constant 0 : i32
    %dma_start3A_540 = arith.constant 0 : i32
    %dma_start3A_541 = tpu.memref_slice %arg3[%add3A_538, %dma_start3A_539, %dma_start3A_540] : memref<16384x32x128xf32, #tpu.memory_space<hbm>> -> memref<16x32x128xf32, #tpu.memory_space<hbm>>
    %dma_start3A_542 = arith.constant 0 : i32
    %dma_start3A_543 = arith.constant 0 : i32
    %dma_start3A_544 = tpu.memref_slice %arg3[%add3A_538, %dma_start3A_542, %dma_start3A_543] : memref<16384x32x128xf32, #tpu.memory_space<hbm>> -> memref<16x32x128xf32, #tpu.memory_space<hbm>>
    tpu.enqueue_dma source(%arg4 : memref<16x32x128xf32, #tpu.memory_space<vmem>>) target(%dma_start3A_544 : memref<16x32x128xf32, #tpu.memory_space<hbm>>) target_semaphore(%arg6 : memref<!tpu.dma_semaphore, #tpu.memory_space<semaphore_mem>>)
    %dma_wait3A_545 = arith.constant 0 : i32
    %dma_wait3A_546 = arith.constant 0 : i32
    %dma_wait3A_547 = tpu.memref_slice %arg3[%add3A_290, %dma_wait3A_545, %dma_wait3A_546] : memref<16384x32x128xf32, #tpu.memory_space<hbm>> -> memref<16x32x128xf32, #tpu.memory_space<hbm>>
    %dma_wait3A_548 = arith.constant 0 : i32
    %dma_wait3A_549 = arith.constant 0 : i32
    %dma_wait3A_550 = tpu.memref_slice %arg3[%add3A_290, %dma_wait3A_548, %dma_wait3A_549] : memref<16384x32x128xf32, #tpu.memory_space<hbm>> -> memref<16x32x128xf32, #tpu.memory_space<hbm>>
    tpu.wait_dma2 semaphore(%arg6 : memref<!tpu.dma_semaphore, #tpu.memory_space<semaphore_mem>>) src(%arg4 : memref<16x32x128xf32, #tpu.memory_space<vmem>>) dst(%dma_wait3A_550 : memref<16x32x128xf32, #tpu.memory_space<hbm>>)
    %dma_wait3A_551 = arith.constant 0 : i32
    %dma_wait3A_552 = arith.constant 0 : i32
    %dma_wait3A_553 = tpu.memref_slice %arg3[%add3A_298, %dma_wait3A_551, %dma_wait3A_552] : memref<16384x32x128xf32, #tpu.memory_space<hbm>> -> memref<16x32x128xf32, #tpu.memory_space<hbm>>
    %dma_wait3A_554 = arith.constant 0 : i32
    %dma_wait3A_555 = arith.constant 0 : i32
    %dma_wait3A_556 = tpu.memref_slice %arg3[%add3A_298, %dma_wait3A_554, %dma_wait3A_555] : memref<16384x32x128xf32, #tpu.memory_space<hbm>> -> memref<16x32x128xf32, #tpu.memory_space<hbm>>
    tpu.wait_dma2 semaphore(%arg6 : memref<!tpu.dma_semaphore, #tpu.memory_space<semaphore_mem>>) src(%arg4 : memref<16x32x128xf32, #tpu.memory_space<vmem>>) dst(%dma_wait3A_556 : memref<16x32x128xf32, #tpu.memory_space<hbm>>)
    %dma_wait3A_557 = arith.constant 0 : i32
    %dma_wait3A_558 = arith.constant 0 : i32
    %dma_wait3A_559 = tpu.memref_slice %arg3[%add3A_306, %dma_wait3A_557, %dma_wait3A_558] : memref<16384x32x128xf32, #tpu.memory_space<hbm>> -> memref<16x32x128xf32, #tpu.memory_space<hbm>>
    %dma_wait3A_560 = arith.constant 0 : i32
    %dma_wait3A_561 = arith.constant 0 : i32
    %dma_wait3A_562 = tpu.memref_slice %arg3[%add3A_306, %dma_wait3A_560, %dma_wait3A_561] : memref<16384x32x128xf32, #tpu.memory_space<hbm>> -> memref<16x32x128xf32, #tpu.memory_space<hbm>>
    tpu.wait_dma2 semaphore(%arg6 : memref<!tpu.dma_semaphore, #tpu.memory_space<semaphore_mem>>) src(%arg4 : memref<16x32x128xf32, #tpu.memory_space<vmem>>) dst(%dma_wait3A_562 : memref<16x32x128xf32, #tpu.memory_space<hbm>>)
    %dma_wait3A_563 = arith.constant 0 : i32
    %dma_wait3A_564 = arith.constant 0 : i32
    %dma_wait3A_565 = tpu.memref_slice %arg3[%add3A_314, %dma_wait3A_563, %dma_wait3A_564] : memref<16384x32x128xf32, #tpu.memory_space<hbm>> -> memref<16x32x128xf32, #tpu.memory_space<hbm>>
    %dma_wait3A_566 = arith.constant 0 : i32
    %dma_wait3A_567 = arith.constant 0 : i32
    %dma_wait3A_568 = tpu.memref_slice %arg3[%add3A_314, %dma_wait3A_566, %dma_wait3A_567] : memref<16384x32x128xf32, #tpu.memory_space<hbm>> -> memref<16x32x128xf32, #tpu.memory_space<hbm>>
    tpu.wait_dma2 semaphore(%arg6 : memref<!tpu.dma_semaphore, #tpu.memory_space<semaphore_mem>>) src(%arg4 : memref<16x32x128xf32, #tpu.memory_space<vmem>>) dst(%dma_wait3A_568 : memref<16x32x128xf32, #tpu.memory_space<hbm>>)
    %dma_wait3A_569 = arith.constant 0 : i32
    %dma_wait3A_570 = arith.constant 0 : i32
    %dma_wait3A_571 = tpu.memref_slice %arg3[%add3A_322, %dma_wait3A_569, %dma_wait3A_570] : memref<16384x32x128xf32, #tpu.memory_space<hbm>> -> memref<16x32x128xf32, #tpu.memory_space<hbm>>
    %dma_wait3A_572 = arith.constant 0 : i32
    %dma_wait3A_573 = arith.constant 0 : i32
    %dma_wait3A_574 = tpu.memref_slice %arg3[%add3A_322, %dma_wait3A_572, %dma_wait3A_573] : memref<16384x32x128xf32, #tpu.memory_space<hbm>> -> memref<16x32x128xf32, #tpu.memory_space<hbm>>
    tpu.wait_dma2 semaphore(%arg6 : memref<!tpu.dma_semaphore, #tpu.memory_space<semaphore_mem>>) src(%arg4 : memref<16x32x128xf32, #tpu.memory_space<vmem>>) dst(%dma_wait3A_574 : memref<16x32x128xf32, #tpu.memory_space<hbm>>)
    %dma_wait3A_575 = arith.constant 0 : i32
    %dma_wait3A_576 = arith.constant 0 : i32
    %dma_wait3A_577 = tpu.memref_slice %arg3[%add3A_330, %dma_wait3A_575, %dma_wait3A_576] : memref<16384x32x128xf32, #tpu.memory_space<hbm>> -> memref<16x32x128xf32, #tpu.memory_space<hbm>>
    %dma_wait3A_578 = arith.constant 0 : i32
    %dma_wait3A_579 = arith.constant 0 : i32
    %dma_wait3A_580 = tpu.memref_slice %arg3[%add3A_330, %dma_wait3A_578, %dma_wait3A_579] : memref<16384x32x128xf32, #tpu.memory_space<hbm>> -> memref<16x32x128xf32, #tpu.memory_space<hbm>>
    tpu.wait_dma2 semaphore(%arg6 : memref<!tpu.dma_semaphore, #tpu.memory_space<semaphore_mem>>) src(%arg4 : memref<16x32x128xf32, #tpu.memory_space<vmem>>) dst(%dma_wait3A_580 : memref<16x32x128xf32, #tpu.memory_space<hbm>>)
    %dma_wait3A_581 = arith.constant 0 : i32
    %dma_wait3A_582 = arith.constant 0 : i32
    %dma_wait3A_583 = tpu.memref_slice %arg3[%add3A_338, %dma_wait3A_581, %dma_wait3A_582] : memref<16384x32x128xf32, #tpu.memory_space<hbm>> -> memref<16x32x128xf32, #tpu.memory_space<hbm>>
    %dma_wait3A_584 = arith.constant 0 : i32
    %dma_wait3A_585 = arith.constant 0 : i32
    %dma_wait3A_586 = tpu.memref_slice %arg3[%add3A_338, %dma_wait3A_584, %dma_wait3A_585] : memref<16384x32x128xf32, #tpu.memory_space<hbm>> -> memref<16x32x128xf32, #tpu.memory_space<hbm>>
    tpu.wait_dma2 semaphore(%arg6 : memref<!tpu.dma_semaphore, #tpu.memory_space<semaphore_mem>>) src(%arg4 : memref<16x32x128xf32, #tpu.memory_space<vmem>>) dst(%dma_wait3A_586 : memref<16x32x128xf32, #tpu.memory_space<hbm>>)
    %dma_wait3A_587 = arith.constant 0 : i32
    %dma_wait3A_588 = arith.constant 0 : i32
    %dma_wait3A_589 = tpu.memref_slice %arg3[%add3A_346, %dma_wait3A_587, %dma_wait3A_588] : memref<16384x32x128xf32, #tpu.memory_space<hbm>> -> memref<16x32x128xf32, #tpu.memory_space<hbm>>
    %dma_wait3A_590 = arith.constant 0 : i32
    %dma_wait3A_591 = arith.constant 0 : i32
    %dma_wait3A_592 = tpu.memref_slice %arg3[%add3A_346, %dma_wait3A_590, %dma_wait3A_591] : memref<16384x32x128xf32, #tpu.memory_space<hbm>> -> memref<16x32x128xf32, #tpu.memory_space<hbm>>
    tpu.wait_dma2 semaphore(%arg6 : memref<!tpu.dma_semaphore, #tpu.memory_space<semaphore_mem>>) src(%arg4 : memref<16x32x128xf32, #tpu.memory_space<vmem>>) dst(%dma_wait3A_592 : memref<16x32x128xf32, #tpu.memory_space<hbm>>)
    %dma_wait3A_593 = arith.constant 0 : i32
    %dma_wait3A_594 = arith.constant 0 : i32
    %dma_wait3A_595 = tpu.memref_slice %arg3[%add3A_354, %dma_wait3A_593, %dma_wait3A_594] : memref<16384x32x128xf32, #tpu.memory_space<hbm>> -> memref<16x32x128xf32, #tpu.memory_space<hbm>>
    %dma_wait3A_596 = arith.constant 0 : i32
    %dma_wait3A_597 = arith.constant 0 : i32
    %dma_wait3A_598 = tpu.memref_slice %arg3[%add3A_354, %dma_wait3A_596, %dma_wait3A_597] : memref<16384x32x128xf32, #tpu.memory_space<hbm>> -> memref<16x32x128xf32, #tpu.memory_space<hbm>>
    tpu.wait_dma2 semaphore(%arg6 : memref<!tpu.dma_semaphore, #tpu.memory_space<semaphore_mem>>) src(%arg4 : memref<16x32x128xf32, #tpu.memory_space<vmem>>) dst(%dma_wait3A_598 : memref<16x32x128xf32, #tpu.memory_space<hbm>>)
    %dma_wait3A_599 = arith.constant 0 : i32
    %dma_wait3A_600 = arith.constant 0 : i32
    %dma_wait3A_601 = tpu.memref_slice %arg3[%add3A_362, %dma_wait3A_599, %dma_wait3A_600] : memref<16384x32x128xf32, #tpu.memory_space<hbm>> -> memref<16x32x128xf32, #tpu.memory_space<hbm>>
    %dma_wait3A_602 = arith.constant 0 : i32
    %dma_wait3A_603 = arith.constant 0 : i32
    %dma_wait3A_604 = tpu.memref_slice %arg3[%add3A_362, %dma_wait3A_602, %dma_wait3A_603] : memref<16384x32x128xf32, #tpu.memory_space<hbm>> -> memref<16x32x128xf32, #tpu.memory_space<hbm>>
    tpu.wait_dma2 semaphore(%arg6 : memref<!tpu.dma_semaphore, #tpu.memory_space<semaphore_mem>>) src(%arg4 : memref<16x32x128xf32, #tpu.memory_space<vmem>>) dst(%dma_wait3A_604 : memref<16x32x128xf32, #tpu.memory_space<hbm>>)
    %dma_wait3A_605 = arith.constant 0 : i32
    %dma_wait3A_606 = arith.constant 0 : i32
    %dma_wait3A_607 = tpu.memref_slice %arg3[%add3A_370, %dma_wait3A_605, %dma_wait3A_606] : memref<16384x32x128xf32, #tpu.memory_space<hbm>> -> memref<16x32x128xf32, #tpu.memory_space<hbm>>
    %dma_wait3A_608 = arith.constant 0 : i32
    %dma_wait3A_609 = arith.constant 0 : i32
    %dma_wait3A_610 = tpu.memref_slice %arg3[%add3A_370, %dma_wait3A_608, %dma_wait3A_609] : memref<16384x32x128xf32, #tpu.memory_space<hbm>> -> memref<16x32x128xf32, #tpu.memory_space<hbm>>
    tpu.wait_dma2 semaphore(%arg6 : memref<!tpu.dma_semaphore, #tpu.memory_space<semaphore_mem>>) src(%arg4 : memref<16x32x128xf32, #tpu.memory_space<vmem>>) dst(%dma_wait3A_610 : memref<16x32x128xf32, #tpu.memory_space<hbm>>)
    %dma_wait3A_611 = arith.constant 0 : i32
    %dma_wait3A_612 = arith.constant 0 : i32
    %dma_wait3A_613 = tpu.memref_slice %arg3[%add3A_378, %dma_wait3A_611, %dma_wait3A_612] : memref<16384x32x128xf32, #tpu.memory_space<hbm>> -> memref<16x32x128xf32, #tpu.memory_space<hbm>>
    %dma_wait3A_614 = arith.constant 0 : i32
    %dma_wait3A_615 = arith.constant 0 : i32
    %dma_wait3A_616 = tpu.memref_slice %arg3[%add3A_378, %dma_wait3A_614, %dma_wait3A_615] : memref<16384x32x128xf32, #tpu.memory_space<hbm>> -> memref<16x32x128xf32, #tpu.memory_space<hbm>>
    tpu.wait_dma2 semaphore(%arg6 : memref<!tpu.dma_semaphore, #tpu.memory_space<semaphore_mem>>) src(%arg4 : memref<16x32x128xf32, #tpu.memory_space<vmem>>) dst(%dma_wait3A_616 : memref<16x32x128xf32, #tpu.memory_space<hbm>>)
    %dma_wait3A_617 = arith.constant 0 : i32
    %dma_wait3A_618 = arith.constant 0 : i32
    %dma_wait3A_619 = tpu.memref_slice %arg3[%add3A_386, %dma_wait3A_617, %dma_wait3A_618] : memref<16384x32x128xf32, #tpu.memory_space<hbm>> -> memref<16x32x128xf32, #tpu.memory_space<hbm>>
    %dma_wait3A_620 = arith.constant 0 : i32
    %dma_wait3A_621 = arith.constant 0 : i32
    %dma_wait3A_622 = tpu.memref_slice %arg3[%add3A_386, %dma_wait3A_620, %dma_wait3A_621] : memref<16384x32x128xf32, #tpu.memory_space<hbm>> -> memref<16x32x128xf32, #tpu.memory_space<hbm>>
    tpu.wait_dma2 semaphore(%arg6 : memref<!tpu.dma_semaphore, #tpu.memory_space<semaphore_mem>>) src(%arg4 : memref<16x32x128xf32, #tpu.memory_space<vmem>>) dst(%dma_wait3A_622 : memref<16x32x128xf32, #tpu.memory_space<hbm>>)
    %dma_wait3A_623 = arith.constant 0 : i32
    %dma_wait3A_624 = arith.constant 0 : i32
    %dma_wait3A_625 = tpu.memref_slice %arg3[%add3A_394, %dma_wait3A_623, %dma_wait3A_624] : memref<16384x32x128xf32, #tpu.memory_space<hbm>> -> memref<16x32x128xf32, #tpu.memory_space<hbm>>
    %dma_wait3A_626 = arith.constant 0 : i32
    %dma_wait3A_627 = arith.constant 0 : i32
    %dma_wait3A_628 = tpu.memref_slice %arg3[%add3A_394, %dma_wait3A_626, %dma_wait3A_627] : memref<16384x32x128xf32, #tpu.memory_space<hbm>> -> memref<16x32x128xf32, #tpu.memory_space<hbm>>
    tpu.wait_dma2 semaphore(%arg6 : memref<!tpu.dma_semaphore, #tpu.memory_space<semaphore_mem>>) src(%arg4 : memref<16x32x128xf32, #tpu.memory_space<vmem>>) dst(%dma_wait3A_628 : memref<16x32x128xf32, #tpu.memory_space<hbm>>)
    %dma_wait3A_629 = arith.constant 0 : i32
    %dma_wait3A_630 = arith.constant 0 : i32
    %dma_wait3A_631 = tpu.memref_slice %arg3[%add3A_402, %dma_wait3A_629, %dma_wait3A_630] : memref<16384x32x128xf32, #tpu.memory_space<hbm>> -> memref<16x32x128xf32, #tpu.memory_space<hbm>>
    %dma_wait3A_632 = arith.constant 0 : i32
    %dma_wait3A_633 = arith.constant 0 : i32
    %dma_wait3A_634 = tpu.memref_slice %arg3[%add3A_402, %dma_wait3A_632, %dma_wait3A_633] : memref<16384x32x128xf32, #tpu.memory_space<hbm>> -> memref<16x32x128xf32, #tpu.memory_space<hbm>>
    tpu.wait_dma2 semaphore(%arg6 : memref<!tpu.dma_semaphore, #tpu.memory_space<semaphore_mem>>) src(%arg4 : memref<16x32x128xf32, #tpu.memory_space<vmem>>) dst(%dma_wait3A_634 : memref<16x32x128xf32, #tpu.memory_space<hbm>>)
    %dma_wait3A_635 = arith.constant 0 : i32
    %dma_wait3A_636 = arith.constant 0 : i32
    %dma_wait3A_637 = tpu.memref_slice %arg3[%add3A_410, %dma_wait3A_635, %dma_wait3A_636] : memref<16384x32x128xf32, #tpu.memory_space<hbm>> -> memref<16x32x128xf32, #tpu.memory_space<hbm>>
    %dma_wait3A_638 = arith.constant 0 : i32
    %dma_wait3A_639 = arith.constant 0 : i32
    %dma_wait3A_640 = tpu.memref_slice %arg3[%add3A_410, %dma_wait3A_638, %dma_wait3A_639] : memref<16384x32x128xf32, #tpu.memory_space<hbm>> -> memref<16x32x128xf32, #tpu.memory_space<hbm>>
    tpu.wait_dma2 semaphore(%arg6 : memref<!tpu.dma_semaphore, #tpu.memory_space<semaphore_mem>>) src(%arg4 : memref<16x32x128xf32, #tpu.memory_space<vmem>>) dst(%dma_wait3A_640 : memref<16x32x128xf32, #tpu.memory_space<hbm>>)
    %dma_wait3A_641 = arith.constant 0 : i32
    %dma_wait3A_642 = arith.constant 0 : i32
    %dma_wait3A_643 = tpu.memref_slice %arg3[%add3A_418, %dma_wait3A_641, %dma_wait3A_642] : memref<16384x32x128xf32, #tpu.memory_space<hbm>> -> memref<16x32x128xf32, #tpu.memory_space<hbm>>
    %dma_wait3A_644 = arith.constant 0 : i32
    %dma_wait3A_645 = arith.constant 0 : i32
    %dma_wait3A_646 = tpu.memref_slice %arg3[%add3A_418, %dma_wait3A_644, %dma_wait3A_645] : memref<16384x32x128xf32, #tpu.memory_space<hbm>> -> memref<16x32x128xf32, #tpu.memory_space<hbm>>
    tpu.wait_dma2 semaphore(%arg6 : memref<!tpu.dma_semaphore, #tpu.memory_space<semaphore_mem>>) src(%arg4 : memref<16x32x128xf32, #tpu.memory_space<vmem>>) dst(%dma_wait3A_646 : memref<16x32x128xf32, #tpu.memory_space<hbm>>)
    %dma_wait3A_647 = arith.constant 0 : i32
    %dma_wait3A_648 = arith.constant 0 : i32
    %dma_wait3A_649 = tpu.memref_slice %arg3[%add3A_426, %dma_wait3A_647, %dma_wait3A_648] : memref<16384x32x128xf32, #tpu.memory_space<hbm>> -> memref<16x32x128xf32, #tpu.memory_space<hbm>>
    %dma_wait3A_650 = arith.constant 0 : i32
    %dma_wait3A_651 = arith.constant 0 : i32
    %dma_wait3A_652 = tpu.memref_slice %arg3[%add3A_426, %dma_wait3A_650, %dma_wait3A_651] : memref<16384x32x128xf32, #tpu.memory_space<hbm>> -> memref<16x32x128xf32, #tpu.memory_space<hbm>>
    tpu.wait_dma2 semaphore(%arg6 : memref<!tpu.dma_semaphore, #tpu.memory_space<semaphore_mem>>) src(%arg4 : memref<16x32x128xf32, #tpu.memory_space<vmem>>) dst(%dma_wait3A_652 : memref<16x32x128xf32, #tpu.memory_space<hbm>>)
    %dma_wait3A_653 = arith.constant 0 : i32
    %dma_wait3A_654 = arith.constant 0 : i32
    %dma_wait3A_655 = tpu.memref_slice %arg3[%add3A_434, %dma_wait3A_653, %dma_wait3A_654] : memref<16384x32x128xf32, #tpu.memory_space<hbm>> -> memref<16x32x128xf32, #tpu.memory_space<hbm>>
    %dma_wait3A_656 = arith.constant 0 : i32
    %dma_wait3A_657 = arith.constant 0 : i32
    %dma_wait3A_658 = tpu.memref_slice %arg3[%add3A_434, %dma_wait3A_656, %dma_wait3A_657] : memref<16384x32x128xf32, #tpu.memory_space<hbm>> -> memref<16x32x128xf32, #tpu.memory_space<hbm>>
    tpu.wait_dma2 semaphore(%arg6 : memref<!tpu.dma_semaphore, #tpu.memory_space<semaphore_mem>>) src(%arg4 : memref<16x32x128xf32, #tpu.memory_space<vmem>>) dst(%dma_wait3A_658 : memref<16x32x128xf32, #tpu.memory_space<hbm>>)
    %dma_wait3A_659 = arith.constant 0 : i32
    %dma_wait3A_660 = arith.constant 0 : i32
    %dma_wait3A_661 = tpu.memref_slice %arg3[%add3A_442, %dma_wait3A_659, %dma_wait3A_660] : memref<16384x32x128xf32, #tpu.memory_space<hbm>> -> memref<16x32x128xf32, #tpu.memory_space<hbm>>
    %dma_wait3A_662 = arith.constant 0 : i32
    %dma_wait3A_663 = arith.constant 0 : i32
    %dma_wait3A_664 = tpu.memref_slice %arg3[%add3A_442, %dma_wait3A_662, %dma_wait3A_663] : memref<16384x32x128xf32, #tpu.memory_space<hbm>> -> memref<16x32x128xf32, #tpu.memory_space<hbm>>
    tpu.wait_dma2 semaphore(%arg6 : memref<!tpu.dma_semaphore, #tpu.memory_space<semaphore_mem>>) src(%arg4 : memref<16x32x128xf32, #tpu.memory_space<vmem>>) dst(%dma_wait3A_664 : memref<16x32x128xf32, #tpu.memory_space<hbm>>)
    %dma_wait3A_665 = arith.constant 0 : i32
    %dma_wait3A_666 = arith.constant 0 : i32
    %dma_wait3A_667 = tpu.memref_slice %arg3[%add3A_450, %dma_wait3A_665, %dma_wait3A_666] : memref<16384x32x128xf32, #tpu.memory_space<hbm>> -> memref<16x32x128xf32, #tpu.memory_space<hbm>>
    %dma_wait3A_668 = arith.constant 0 : i32
    %dma_wait3A_669 = arith.constant 0 : i32
    %dma_wait3A_670 = tpu.memref_slice %arg3[%add3A_450, %dma_wait3A_668, %dma_wait3A_669] : memref<16384x32x128xf32, #tpu.memory_space<hbm>> -> memref<16x32x128xf32, #tpu.memory_space<hbm>>
    tpu.wait_dma2 semaphore(%arg6 : memref<!tpu.dma_semaphore, #tpu.memory_space<semaphore_mem>>) src(%arg4 : memref<16x32x128xf32, #tpu.memory_space<vmem>>) dst(%dma_wait3A_670 : memref<16x32x128xf32, #tpu.memory_space<hbm>>)
    %dma_wait3A_671 = arith.constant 0 : i32
    %dma_wait3A_672 = arith.constant 0 : i32
    %dma_wait3A_673 = tpu.memref_slice %arg3[%add3A_458, %dma_wait3A_671, %dma_wait3A_672] : memref<16384x32x128xf32, #tpu.memory_space<hbm>> -> memref<16x32x128xf32, #tpu.memory_space<hbm>>
    %dma_wait3A_674 = arith.constant 0 : i32
    %dma_wait3A_675 = arith.constant 0 : i32
    %dma_wait3A_676 = tpu.memref_slice %arg3[%add3A_458, %dma_wait3A_674, %dma_wait3A_675] : memref<16384x32x128xf32, #tpu.memory_space<hbm>> -> memref<16x32x128xf32, #tpu.memory_space<hbm>>
    tpu.wait_dma2 semaphore(%arg6 : memref<!tpu.dma_semaphore, #tpu.memory_space<semaphore_mem>>) src(%arg4 : memref<16x32x128xf32, #tpu.memory_space<vmem>>) dst(%dma_wait3A_676 : memref<16x32x128xf32, #tpu.memory_space<hbm>>)
    %dma_wait3A_677 = arith.constant 0 : i32
    %dma_wait3A_678 = arith.constant 0 : i32
    %dma_wait3A_679 = tpu.memref_slice %arg3[%add3A_466, %dma_wait3A_677, %dma_wait3A_678] : memref<16384x32x128xf32, #tpu.memory_space<hbm>> -> memref<16x32x128xf32, #tpu.memory_space<hbm>>
    %dma_wait3A_680 = arith.constant 0 : i32
    %dma_wait3A_681 = arith.constant 0 : i32
    %dma_wait3A_682 = tpu.memref_slice %arg3[%add3A_466, %dma_wait3A_680, %dma_wait3A_681] : memref<16384x32x128xf32, #tpu.memory_space<hbm>> -> memref<16x32x128xf32, #tpu.memory_space<hbm>>
    tpu.wait_dma2 semaphore(%arg6 : memref<!tpu.dma_semaphore, #tpu.memory_space<semaphore_mem>>) src(%arg4 : memref<16x32x128xf32, #tpu.memory_space<vmem>>) dst(%dma_wait3A_682 : memref<16x32x128xf32, #tpu.memory_space<hbm>>)
    %dma_wait3A_683 = arith.constant 0 : i32
    %dma_wait3A_684 = arith.constant 0 : i32
    %dma_wait3A_685 = tpu.memref_slice %arg3[%add3A_474, %dma_wait3A_683, %dma_wait3A_684] : memref<16384x32x128xf32, #tpu.memory_space<hbm>> -> memref<16x32x128xf32, #tpu.memory_space<hbm>>
    %dma_wait3A_686 = arith.constant 0 : i32
    %dma_wait3A_687 = arith.constant 0 : i32
    %dma_wait3A_688 = tpu.memref_slice %arg3[%add3A_474, %dma_wait3A_686, %dma_wait3A_687] : memref<16384x32x128xf32, #tpu.memory_space<hbm>> -> memref<16x32x128xf32, #tpu.memory_space<hbm>>
    tpu.wait_dma2 semaphore(%arg6 : memref<!tpu.dma_semaphore, #tpu.memory_space<semaphore_mem>>) src(%arg4 : memref<16x32x128xf32, #tpu.memory_space<vmem>>) dst(%dma_wait3A_688 : memref<16x32x128xf32, #tpu.memory_space<hbm>>)
    %dma_wait3A_689 = arith.constant 0 : i32
    %dma_wait3A_690 = arith.constant 0 : i32
    %dma_wait3A_691 = tpu.memref_slice %arg3[%add3A_482, %dma_wait3A_689, %dma_wait3A_690] : memref<16384x32x128xf32, #tpu.memory_space<hbm>> -> memref<16x32x128xf32, #tpu.memory_space<hbm>>
    %dma_wait3A_692 = arith.constant 0 : i32
    %dma_wait3A_693 = arith.constant 0 : i32
    %dma_wait3A_694 = tpu.memref_slice %arg3[%add3A_482, %dma_wait3A_692, %dma_wait3A_693] : memref<16384x32x128xf32, #tpu.memory_space<hbm>> -> memref<16x32x128xf32, #tpu.memory_space<hbm>>
    tpu.wait_dma2 semaphore(%arg6 : memref<!tpu.dma_semaphore, #tpu.memory_space<semaphore_mem>>) src(%arg4 : memref<16x32x128xf32, #tpu.memory_space<vmem>>) dst(%dma_wait3A_694 : memref<16x32x128xf32, #tpu.memory_space<hbm>>)
    %dma_wait3A_695 = arith.constant 0 : i32
    %dma_wait3A_696 = arith.constant 0 : i32
    %dma_wait3A_697 = tpu.memref_slice %arg3[%add3A_490, %dma_wait3A_695, %dma_wait3A_696] : memref<16384x32x128xf32, #tpu.memory_space<hbm>> -> memref<16x32x128xf32, #tpu.memory_space<hbm>>
    %dma_wait3A_698 = arith.constant 0 : i32
    %dma_wait3A_699 = arith.constant 0 : i32
    %dma_wait3A_700 = tpu.memref_slice %arg3[%add3A_490, %dma_wait3A_698, %dma_wait3A_699] : memref<16384x32x128xf32, #tpu.memory_space<hbm>> -> memref<16x32x128xf32, #tpu.memory_space<hbm>>
    tpu.wait_dma2 semaphore(%arg6 : memref<!tpu.dma_semaphore, #tpu.memory_space<semaphore_mem>>) src(%arg4 : memref<16x32x128xf32, #tpu.memory_space<vmem>>) dst(%dma_wait3A_700 : memref<16x32x128xf32, #tpu.memory_space<hbm>>)
    %dma_wait3A_701 = arith.constant 0 : i32
    %dma_wait3A_702 = arith.constant 0 : i32
    %dma_wait3A_703 = tpu.memref_slice %arg3[%add3A_498, %dma_wait3A_701, %dma_wait3A_702] : memref<16384x32x128xf32, #tpu.memory_space<hbm>> -> memref<16x32x128xf32, #tpu.memory_space<hbm>>
    %dma_wait3A_704 = arith.constant 0 : i32
    %dma_wait3A_705 = arith.constant 0 : i32
    %dma_wait3A_706 = tpu.memref_slice %arg3[%add3A_498, %dma_wait3A_704, %dma_wait3A_705] : memref<16384x32x128xf32, #tpu.memory_space<hbm>> -> memref<16x32x128xf32, #tpu.memory_space<hbm>>
    tpu.wait_dma2 semaphore(%arg6 : memref<!tpu.dma_semaphore, #tpu.memory_space<semaphore_mem>>) src(%arg4 : memref<16x32x128xf32, #tpu.memory_space<vmem>>) dst(%dma_wait3A_706 : memref<16x32x128xf32, #tpu.memory_space<hbm>>)
    %dma_wait3A_707 = arith.constant 0 : i32
    %dma_wait3A_708 = arith.constant 0 : i32
    %dma_wait3A_709 = tpu.memref_slice %arg3[%add3A_506, %dma_wait3A_707, %dma_wait3A_708] : memref<16384x32x128xf32, #tpu.memory_space<hbm>> -> memref<16x32x128xf32, #tpu.memory_space<hbm>>
    %dma_wait3A_710 = arith.constant 0 : i32
    %dma_wait3A_711 = arith.constant 0 : i32
    %dma_wait3A_712 = tpu.memref_slice %arg3[%add3A_506, %dma_wait3A_710, %dma_wait3A_711] : memref<16384x32x128xf32, #tpu.memory_space<hbm>> -> memref<16x32x128xf32, #tpu.memory_space<hbm>>
    tpu.wait_dma2 semaphore(%arg6 : memref<!tpu.dma_semaphore, #tpu.memory_space<semaphore_mem>>) src(%arg4 : memref<16x32x128xf32, #tpu.memory_space<vmem>>) dst(%dma_wait3A_712 : memref<16x32x128xf32, #tpu.memory_space<hbm>>)
    %dma_wait3A_713 = arith.constant 0 : i32
    %dma_wait3A_714 = arith.constant 0 : i32
    %dma_wait3A_715 = tpu.memref_slice %arg3[%add3A_514, %dma_wait3A_713, %dma_wait3A_714] : memref<16384x32x128xf32, #tpu.memory_space<hbm>> -> memref<16x32x128xf32, #tpu.memory_space<hbm>>
    %dma_wait3A_716 = arith.constant 0 : i32
    %dma_wait3A_717 = arith.constant 0 : i32
    %dma_wait3A_718 = tpu.memref_slice %arg3[%add3A_514, %dma_wait3A_716, %dma_wait3A_717] : memref<16384x32x128xf32, #tpu.memory_space<hbm>> -> memref<16x32x128xf32, #tpu.memory_space<hbm>>
    tpu.wait_dma2 semaphore(%arg6 : memref<!tpu.dma_semaphore, #tpu.memory_space<semaphore_mem>>) src(%arg4 : memref<16x32x128xf32, #tpu.memory_space<vmem>>) dst(%dma_wait3A_718 : memref<16x32x128xf32, #tpu.memory_space<hbm>>)
    %dma_wait3A_719 = arith.constant 0 : i32
    %dma_wait3A_720 = arith.constant 0 : i32
    %dma_wait3A_721 = tpu.memref_slice %arg3[%add3A_522, %dma_wait3A_719, %dma_wait3A_720] : memref<16384x32x128xf32, #tpu.memory_space<hbm>> -> memref<16x32x128xf32, #tpu.memory_space<hbm>>
    %dma_wait3A_722 = arith.constant 0 : i32
    %dma_wait3A_723 = arith.constant 0 : i32
    %dma_wait3A_724 = tpu.memref_slice %arg3[%add3A_522, %dma_wait3A_722, %dma_wait3A_723] : memref<16384x32x128xf32, #tpu.memory_space<hbm>> -> memref<16x32x128xf32, #tpu.memory_space<hbm>>
    tpu.wait_dma2 semaphore(%arg6 : memref<!tpu.dma_semaphore, #tpu.memory_space<semaphore_mem>>) src(%arg4 : memref<16x32x128xf32, #tpu.memory_space<vmem>>) dst(%dma_wait3A_724 : memref<16x32x128xf32, #tpu.memory_space<hbm>>)
    %dma_wait3A_725 = arith.constant 0 : i32
    %dma_wait3A_726 = arith.constant 0 : i32
    %dma_wait3A_727 = tpu.memref_slice %arg3[%add3A_530, %dma_wait3A_725, %dma_wait3A_726] : memref<16384x32x128xf32, #tpu.memory_space<hbm>> -> memref<16x32x128xf32, #tpu.memory_space<hbm>>
    %dma_wait3A_728 = arith.constant 0 : i32
    %dma_wait3A_729 = arith.constant 0 : i32
    %dma_wait3A_730 = tpu.memref_slice %arg3[%add3A_530, %dma_wait3A_728, %dma_wait3A_729] : memref<16384x32x128xf32, #tpu.memory_space<hbm>> -> memref<16x32x128xf32, #tpu.memory_space<hbm>>
    tpu.wait_dma2 semaphore(%arg6 : memref<!tpu.dma_semaphore, #tpu.memory_space<semaphore_mem>>) src(%arg4 : memref<16x32x128xf32, #tpu.memory_space<vmem>>) dst(%dma_wait3A_730 : memref<16x32x128xf32, #tpu.memory_space<hbm>>)
    %dma_wait3A_731 = arith.constant 0 : i32
    %dma_wait3A_732 = arith.constant 0 : i32
    %dma_wait3A_733 = tpu.memref_slice %arg3[%add3A_538, %dma_wait3A_731, %dma_wait3A_732] : memref<16384x32x128xf32, #tpu.memory_space<hbm>> -> memref<16x32x128xf32, #tpu.memory_space<hbm>>
    %dma_wait3A_734 = arith.constant 0 : i32
    %dma_wait3A_735 = arith.constant 0 : i32
    %dma_wait3A_736 = tpu.memref_slice %arg3[%add3A_538, %dma_wait3A_734, %dma_wait3A_735] : memref<16384x32x128xf32, #tpu.memory_space<hbm>> -> memref<16x32x128xf32, #tpu.memory_space<hbm>>
    tpu.wait_dma2 semaphore(%arg6 : memref<!tpu.dma_semaphore, #tpu.memory_space<semaphore_mem>>) src(%arg4 : memref<16x32x128xf32, #tpu.memory_space<vmem>>) dst(%dma_wait3A_736 : memref<16x32x128xf32, #tpu.memory_space<hbm>>)
    return
  }
}

</mosaic_0001>

<sc_bundles>
// kernel: kernel.3.cloned.1.call-start
scs
__scs_entry_jumppad:
0x0: {  	(pc) =	sbr.rel $0x88, $3  }
0x1: {  	(tag) =	ssettag $0x0;
	lr =	simm.s32 $0x1  }
0x2: {  	[smem:$0x3FA0] =	sst lr;
	_ =	strace $0xD0000000  }
0x3: {  	_ = 	snop  }
0x4: {  	_ = 	snop  }
0x5: {  	_ = 	snop  }
0x6: {  	_ = 	snop  }
0x7: {  	_ = 	snop  }
__scs_overlays_trampoline_lowered:
0x8: {  	[smem:$0x3FAF] =	sst s0  }
0x9: {  	[smem:$0x3FB0] =	sst s1  }
0xa: {  	[smem:$0x3FB1] =	sst s2  }
0xb: {  	[smem:$0x3FB2] =	sst s3  }
0xc: {  	[smem:$0x3FB3] =	sst s4  }
0xd: {  	[smem:$0x3FB4] =	sst s5  }
0xe: {  	[smem:$0x3FB5] =	sst s6  }
0xf: {  	[smem:$0x3FB6] =	sst s7  }
0x10: {  	[smem:$0x3FB7] =	sst s8  }
0x11: {  	[smem:$0x3FB8] =	sst s9;
	s0 =	simm.s32 @!p0 $0x0  }
0x12: {  	s1 =	sld [smem:$0x3F9E];
	s0 =	simm.s32 @p0 $0x1  }
0x13: {  	[smem:$0x3FB9] =	sst s0;
	s0 =	simm.s32 @!p1 $0x0  }
0x14: {  	s2 =	sld [smem:$0x3F9D];
	s0 =	simm.s32 @p1 $0x1  }
0x15: {  	[smem:$0x3FBA] =	sst s0;
	s0 =	simm.s32 @!p2 $0x0  }
0x16: {  	s3 =	sld [smem:$0x3FDB];
	s0 =	simm.s32 @p2 $0x1  }
0x17: {  	s4 =	simm.s32 $0x1BF5;
	[smem:$0x3FBC] =	sst s0  }
0x18: {  	s0 =	sld [smem:$0x3F9F];
	_ =	swait.ge [sflag:s4], $0x0  }
0x19: {  	s7 =	sld [smem:$0x3FA0]  }
0x1a: {  	s8 =	sadd.s32 $0xFFFFE003, lr  }
0x1b: {  	s9 =	sadd.s32 $0xFFFFFEF7, lr;
	s5 =	simm.s32 $0xFFFFFFFF;
	p2 =	slt.u32 s8, $0xFFFFF086  }
0x1c: {  	p1 =	slt.u32 s9, $0xF7A;
	s5 =	simm.s32 @!p2 $0x0  }
0x1d: {  	s5 =	simm.s32 @p1 $0x1;
	p0 =	seq.s32 s7, s2  }
0x1e: {  	s7 =	smul.u32 @!p0 $0xF7A, s2;
	p2 =	seq.s32 @!p0 s5, $0x0  }
0x1f: {  	s9 =	smul.u32 $0xF7A, s1;
	s8 =	simm.s32 @!p0 $0x1BF5;
	p2 =	por !p2, p0  }
0x20: {  	[sflag:s8] =	ssyncset.s32 @!p0 $0xFFFFF086;
	s6 =	sadd.s32 @!p0 s3, s7;
	s7 =	simm.s32 @!p0 $0x108  }
0x21: {  	s3 =	sadd.s32 s3, s9;
	s6 =	sadd.s32 @!p0 $0x88, s6;
	s7 =	simm.s32 @p2 $0x1082  }
0x22: {  	[simem:s7], [sflag:s8] =	dma.local @!p0 [hbm:s6], $0xF7A  }
0x23: {  	s9 =	sor.u32 $0xD0000000, s2;
	s6 =	simm.s32 $0x108;
	_ =	swait.ge @!p0 [sflag:s8], $0x0  }
0x24: {  	s3 =	sadd.s32 $0x88, s3;
	s6 =	simm.s32 @!p1 $0x1082;
	[sflag:s4] =	ssyncset.s32 $0xFFFFF086  }
0x25: {  	[simem:s6], [sflag:s4] =	dma.local [hbm:s3], $0xF7A  }
0x26: {  	[smem:$0x3FA0] =	sst s1;
	(tag) =	ssettag s2;
	_ =	strace s9  }
0x27: {  	s1 =	sld [smem:$0x3FB0]  }
0x28: {  	s2 =	sld [smem:$0x3FB1]  }
0x29: {  	s4 =	sld [smem:$0x3FB3]  }
0x2a: {  	p0 =	seq.s32 s5, $0x0;
	s5 =	sld [smem:$0x3FB4]  }
0x2b: {  	s6 =	sld [smem:$0x3FB5]  }
0x2c: {  	s7 =	sld [smem:$0x3FB6]  }
0x2d: {  	s3 =	simm.s32 $0x108;
	s8 =	sld [smem:$0x3FB7]  }
0x2e: {  	s3 =	simm.s32 @!p0 $0x1082;
	s9 =	sld [smem:$0x3FB8]  }
0x2f: {  	lr =	sadd.s32 s0, s3;
	s0 =	sld [smem:$0x3FAF]  }
0x30: {  	s3 =	sld [smem:$0x3FB2]  }
0x31: {  	[smem:$0x3FBB] =	sst s10  }
0x32: {  	s10 =	sld [smem:$0x3FB9];
	_ =	sdelay $0x3  }
0x33: {  	p0 =	seq.s32 s10, $0x1;
	s10 =	sld [smem:$0x3FBB];
	_ =	sdelay $0x3  }
0x34: {  	[smem:$0x3FBB] =	sst s10  }
0x35: {  	s10 =	sld [smem:$0x3FBA];
	_ =	sdelay $0x3  }
0x36: {  	p1 =	seq.s32 s10, $0x1;
	s10 =	sld [smem:$0x3FBB];
	_ =	sdelay $0x3  }
0x37: {  	[smem:$0x3FBB] =	sst s10  }
0x38: {  	s10 =	sld [smem:$0x3FBC]  }
0x39: {  	_ = 	snop;
	(pc) =	sbr.ind lr, $3  }
0x3a: {  	_ = 	snop  }
0x3b: {  	_ = 	snop  }
0x3c: {  	p2 =	seq.s32 s10, $0x1;
	s10 =	sld [smem:$0x3FBB]  }
0x3d: {  	_ =	shalt  }
0x3e: {  	_ =	shalt  }
0x3f: {  	_ =	shalt  }
0x40: {  	_ =	shalt  }
0x41: {  	_ =	shalt  }
0x42: {  	_ =	shalt  }
0x43: {  	_ =	shalt  }
0x44: {  	_ =	shalt  }
0x45: {  	_ =	shalt  }
0x46: {  	_ =	shalt  }
0x47: {  	_ =	shalt  }
0x48: {  	_ =	shalt  }
0x49: {  	_ =	shalt  }
0x4a: {  	_ =	shalt  }
0x4b: {  	_ =	shalt  }
0x4c: {  	_ =	shalt  }
0x4d: {  	_ =	shalt  }
0x4e: {  	_ =	shalt  }
0x4f: {  	_ =	shalt  }
0x50: {  	_ =	shalt  }
0x51: {  	_ =	shalt  }
0x52: {  	_ =	shalt  }
0x53: {  	_ =	shalt  }
0x54: {  	_ =	shalt  }
0x55: {  	_ =	shalt  }
0x56: {  	_ =	shalt  }
0x57: {  	_ =	shalt  }
0x58: {  	_ =	shalt  }
0x59: {  	_ =	shalt  }
0x5a: {  	_ =	shalt  }
0x5b: {  	_ =	shalt  }
0x5c: {  	_ =	shalt  }
0x5d: {  	_ =	shalt  }
0x5e: {  	_ =	shalt  }
0x5f: {  	_ =	shalt  }
0x60: {  	_ =	shalt  }
0x61: {  	_ =	shalt  }
0x62: {  	_ =	shalt  }
0x63: {  	_ =	shalt  }
0x64: {  	_ =	shalt  }
0x65: {  	_ =	shalt  }
0x66: {  	_ =	shalt  }
0x67: {  	_ =	shalt  }
0x68: {  	_ =	shalt  }
0x69: {  	_ =	shalt  }
0x6a: {  	_ =	shalt  }
0x6b: {  	_ =	shalt  }
0x6c: {  	_ =	shalt  }
0x6d: {  	_ =	shalt  }
0x6e: {  	_ =	shalt  }
0x6f: {  	_ =	shalt  }
0x70: {  	_ =	shalt  }
0x71: {  	_ =	shalt  }
0x72: {  	_ =	shalt  }
0x73: {  	_ =	shalt  }
0x74: {  	_ =	shalt  }
0x75: {  	_ =	shalt  }
0x76: {  	_ =	shalt  }
0x77: {  	_ =	shalt  }
0x78: {  	_ =	shalt  }
0x79: {  	_ =	shalt  }
0x7a: {  	_ =	shalt  }
0x7b: {  	_ =	shalt  }
0x7c: {  	_ =	shalt  }
0x7d: {  	_ =	shalt  }
0x7e: {  	_ =	shalt  }
0x7f: {  	_ =	shalt  }
0x80: {  	_ =	shalt  }
0x81: {  	_ =	shalt  }
0x82: {  	_ =	shalt  }
0x83: {  	_ =	shalt  }
0x84: {  	_ =	shalt  }
0x85: {  	_ =	shalt  }
0x86: {  	_ =	shalt  }
0x87: {  	_ =	shalt  }
.Lfunc_end0:
.L_simem_size_0:
called_computation_lowered:
.L_overlay_start_0:
0x88: {  	s2 =	sld [smem:$0x3FD9]  }
0x89: {  	s3 =	sld [smem:$0x3FFE];
	_ =	sdelay $0x1  }
0x8a: {  	s1 =	srdreg.scid  }
0x8b: {  	s0 =	sand.u32 $0x1, s1  }
0x8c: {  	s18 =	sshll.u32 s0, $0xA;
	s2 =	sadd.s32 s3, s2  }
0x8d: {  	s2 =	sadd.s32 s2, s18  }
0x8e: {  	[smem:$0x3FC7] =	sst s2  }
0x8f: {  	_ = 	snop  }
0x90: {  	s2 =	sld [smem:$0x3FC9]  }
0x91: {  	s19 =	sld [smem:$0x3FD0];
	(tm) =	ssettm $0x1  }
0x92: {  	s4 =	sld [smem:$0x3FFB];
	_ =	sdelay $0x3  }
0x93: {  	_ =	strace s4  }
0x94: {  	s4 =	sld [smem:$0x3FFC];
	_ =	sdelay $0x3  }
0x95: {  	_ =	strace s4  }
0x96: {  	s4 =	sld [smem:$0x3FFD];
	_ =	sdelay $0x3  }
0x97: {  	_ =	strace s4  }
0x98: {  	_ =	strace $0x8FFFFFFF  }
0x99: {  	s20 =	sld [smem:$0x3FDB];
	_ =	sdelay $0x1  }
0x9a: {  	s5 =	simm.s32 $_scs_section_size  }
0x9b: {  	s6 =	simm.s32 $_size__tile_overlayer_lowered;
	s7 =	simm.s32 $_tile_overlayer_lowered  }
0x9c: {  	s23 =	simm.s32 $0x1BFF;
	s22 =	sshll.u32 s7, $0x1;
	s4 =	sadd.s32 s5, s20  }
0x9d: {  	s8 =	simm.s32 $0x0;
	s21 =	sshll.u32 s6, $0x1;
	s6 =	sadd.s32 s22, s4  }
0x9e: {  	[timem:s8], [sflag:s23] =	dma.local [hbm:s6], s21  }
0x9f: {  	_ =	swait.ge [sflag:s23], s21  }
0xa0: {  	s5 =	ssub.s32 $0x0, s21;
	[sflag:s23] =	ssyncset.done $0x0  }
0xa1: {  	[sflag:s23] =	ssyncadd.s32 s5;
	_ =	sdelay $0x1  }
0xa2: {  	s24 =	simm.s32 $0x1B8B  }
0xa3: {  	_ =	swait.ge [sflag:s24], $0x1  }
0xa4: {  	[sflag:s24] =	ssyncset.done $0x0  }
0xa5: {  	s25 =	simm.s32 $0x1B8E;
	[sflag:s24] =	ssyncadd.s32 $0xFFFFFFFF  }
0xa6: {  	s26 =	simm.s32 $execute0_lowered;
	[smem:$0x3FD2] =	sst s25  }
0xa7: {  	s5 =	sshll.u32 s26, $0x1;
	_ =	strace $0x80000046;
	[dreg:$0x1] =	wrdreg $0xFFFFFFFF  }
0xa8: {  	s28 =	simm.s32 $_size_execute0_lowered;
	s4 =	sadd.s32 s4, s5;
	[dreg:$0x0] =	wrdreg $0x0  }
0xa9: {  	s5 =	sshll.u32 s28, $0x1;
	[dreg:$0x2] =	wrdreg s4  }
0xaa: {  	[dreg:$0x3] =	wrdreg s5  }
0xab: {  	[dreg:$0x4] =	wrdreg $0xC0  }
0xac: {  	_ =	task [dreg:s8], $0x5FFFF  }
0xad: {  	[dreg:$0x1] =	wrdreg $0xFFFFFFFF  }
0xae: {  	[dreg:$0x0] =	wrdreg $0x60  }
0xaf: {  	[dreg:$0x2] =	wrdreg s2  }
0xb0: {  	[dreg:$0x3] =	wrdreg s19  }
0xb1: {  	[dreg:$0x4] =	wrdreg $0x9  }
0xb2: {  	_ =	task.clear_ibuf [dreg:s8], $0x5FFFF;
	_ =	strace $0x90000046  }
0xb3: {  	s29 =	simm.s32 $0x9;
	_ =	strace $0x80000048  }
0xb4: {  	_ =	swait.ge [sflag:s29], $0x1  }
0xb5: {  	[sflag:s29] =	ssyncadd.s32 $0xFFFFFFFF  }
0xb6: {  	_ =	strace $0x90000048  }
0xb7: {  	_ =	sfence  }
0xb8: {  	s30 =	sld [smem:$0x0];
	_ =	sdelay $0x2  }
0xb9: {  	s31 =	sshll.u32 s1, $0xD;
	s1 =	sshrl.u32 s1, $0x2  }
0xba: {  	s3 =	sand.u32 $0x4000, s31;
	s1 =	sadd.s32 s1, s30  }
0xbb: {  	s0 =	sor.u32 s3, s0;
	s1 =	sshll.u32 s1, $0x11  }
0xbc: {  	s0 =	sor.u32 s1, s0  }
0xbd: {  	s0 =	sadd.s32 $0x8F2B, s0  }
0xbe: {  	[sflag:s0] =	ssyncadd.remote.s32 $0x1  }
0xbf: {  	_ =	sfence.sel $0xFFFF  }
0xc0: {  	[dreg:$0x0] =	wrdreg $0xFFFFFFFF;
	(pc) =	sbr.abs _section_cstart, $3  }
0xc1: {  	[dreg:$0x1] =	wrdreg $0xFFFFFFFF  }
0xc2: {  	_ =	task.clear_ibuf [dreg:s8], $0x2FFFF;
	_ =	strace $0x9FFFFFFF  }
0xc3: {  	(tm) =	ssettm $0x7FFFFFFF  }
tec
execute0_lowered:
.L_overlay_start_1:
0x0: {  	(tag) =	ssettag $0x1  }
0x1: {  	s1 =	srdreg.scid;
	s2 =	rddreg [dreg:$0x0]  }
0x2: {  	s0 =	stileid.u32;
	s3 =	simm.s32 $0x0;
	s1 =	sand.u32 $0x1, s1  }
0x3: {  	s5 =	sshll.u32 s0, $0x13;
	[smem:$0x7FF] =	sst s3;
	s6 =	sshll.u32 s1, $0x12  }
0x4: {  	s4 =	rddreg [dreg:$0x1];
	_ =	strace $0x80000047;
	s5 =	sor.u32 s6, s5  }
0x5: {  	[tilespmem:s3], [sflag:$0x1] =	stream.linear.gather [hbm4b:s2+s3], $0x1000, $0x38;
	[tilespmem:$0x10000] =	vst v63  }
0x6: {  	s4 =	sadd.s32 s4, s5  }
0x7: {  	s25 =	simm.s32 $0x1000;
	s5 =	sadd.s32 $0x2000, s4  }
0x8: {  	[tilespmem:s25], [sflag:$0x1] =	stream.linear.gather [hbm4b:s2+s3], $0x1000, $0x38;
	[tilespmem:$0x10000] =	vst v63  }
0x9: {  	s17 =	sadd.s32 $0x4000, s4;
	[dreg:$0x3] =	wrdreg s5  }
0xa: {  	s18 =	sadd.s32 $0x6000, s4;
	[dreg:$0x4] =	wrdreg s17  }
0xb: {  	s19 =	sadd.s32 $0x8000, s4;
	[dreg:$0x5] =	wrdreg s18  }
0xc: {  	s20 =	sadd.s32 $0xA000, s4;
	[dreg:$0x6] =	wrdreg s19  }
0xd: {  	s21 =	sadd.s32 $0xC000, s4;
	[dreg:$0x7] =	wrdreg s20  }
0xe: {  	s22 =	sadd.s32 $0xE000, s4;
	[dreg:$0x8] =	wrdreg s21  }
0xf: {  	s23 =	sadd.s32 $0x10000, s4;
	[dreg:$0x9] =	wrdreg s22  }
0x10: {  	s24 =	sadd.s32 $0x12000, s4;
	[dreg:$0xa] =	wrdreg s23  }
0x11: {  	s6 =	simm.s32 $0x2000;
	s7 =	sadd.s32 $0x14000, s4;
	[dreg:$0xb] =	wrdreg s24  }
0x12: {  	[tilespmem:s6], [sflag:$0x1] =	stream.linear.gather [hbm4b:s2+s3], $0x1000, $0x38;
	[tilespmem:$0x10000] =	vst v63  }
0x13: {  	s8 =	sadd.s32 $0x16000, s4;
	[dreg:$0xc] =	wrdreg s7;
	s7 =	simm.s32 $0x3000  }
0x14: {  	[tilespmem:s7], [sflag:$0x1] =	stream.linear.gather [hbm4b:s2+s3], $0x1000, $0x38;
	[tilespmem:$0x10000] =	vst v63  }
0x15: {  	s9 =	sadd.s32 $0x18000, s4;
	[dreg:$0xd] =	wrdreg s8;
	s8 =	simm.s32 $0x4000  }
0x16: {  	[tilespmem:s8], [sflag:$0x1] =	stream.linear.gather [hbm4b:s2+s3], $0x1000, $0x38;
	[tilespmem:$0x10000] =	vst v63  }
0x17: {  	s10 =	sadd.s32 $0x1A000, s4;
	[dreg:$0xe] =	wrdreg s9;
	s9 =	simm.s32 $0x5000  }
0x18: {  	[tilespmem:s9], [sflag:$0x1] =	stream.linear.gather [hbm4b:s2+s3], $0x1000, $0x38;
	[tilespmem:$0x10000] =	vst v63  }
0x19: {  	s11 =	sadd.s32 $0x1C000, s4;
	[dreg:$0xf] =	wrdreg s10;
	s10 =	simm.s32 $0x6000  }
0x1a: {  	[tilespmem:s10], [sflag:$0x1] =	stream.linear.gather [hbm4b:s2+s3], $0x1000, $0x38;
	[tilespmem:$0x10000] =	vst v63  }
0x1b: {  	s12 =	sadd.s32 $0x1E000, s4;
	[dreg:$0x10] =	wrdreg s11;
	s11 =	simm.s32 $0x7000  }
0x1c: {  	[tilespmem:s11], [sflag:$0x1] =	stream.linear.gather [hbm4b:s2+s3], $0x1000, $0x38;
	[tilespmem:$0x10000] =	vst v63  }
0x1d: {  	s13 =	sadd.s32 $0x20000, s4;
	[dreg:$0x11] =	wrdreg s12;
	s12 =	simm.s32 $0x8000  }
0x1e: {  	[tilespmem:s12], [sflag:$0x1] =	stream.linear.gather [hbm4b:s2+s3], $0x1000, $0x38;
	[tilespmem:$0x10000] =	vst v63  }
0x1f: {  	s14 =	sadd.s32 $0x22000, s4;
	[dreg:$0x12] =	wrdreg s13;
	s13 =	simm.s32 $0x9000  }
0x20: {  	[tilespmem:s13], [sflag:$0x1] =	stream.linear.gather [hbm4b:s2+s3], $0x1000, $0x38;
	[tilespmem:$0x10000] =	vst v63  }
0x21: {  	s15 =	sadd.s32 $0x24000, s4;
	[dreg:$0x13] =	wrdreg s14;
	s14 =	simm.s32 $0xA000  }
0x22: {  	[tilespmem:s14], [sflag:$0x1] =	stream.linear.gather [hbm4b:s2+s3], $0x1000, $0x38;
	[tilespmem:$0x10000] =	vst v63  }
0x23: {  	s16 =	sadd.s32 $0x26000, s4;
	[dreg:$0x14] =	wrdreg s15;
	s15 =	simm.s32 $0xB000  }
0x24: {  	[tilespmem:s15], [sflag:$0x1] =	stream.linear.gather [hbm4b:s2+s3], $0x1000, $0x38;
	[tilespmem:$0x10000] =	vst v63  }
0x25: {  	[dreg:$0x15] =	wrdreg s16;
	s17 =	sadd.s32 $0x28000, s4;
	s16 =	simm.s32 $0xC000  }
0x26: {  	[tilespmem:s16], [sflag:$0x1] =	stream.linear.gather [hbm4b:s2+s3], $0x1000, $0x38;
	[tilespmem:$0x10000] =	vst v63  }
0x27: {  	s18 =	sadd.s32 $0x2A000, s4;
	[dreg:$0x16] =	wrdreg s17;
	s17 =	simm.s32 $0xD000  }
0x28: {  	[tilespmem:s17], [sflag:$0x1] =	stream.linear.gather [hbm4b:s2+s3], $0x1000, $0x38;
	[tilespmem:$0x10000] =	vst v63  }
0x29: {  	s19 =	sadd.s32 $0x2C000, s4;
	[dreg:$0x17] =	wrdreg s18;
	s18 =	simm.s32 $0xE000  }
0x2a: {  	[tilespmem:s18], [sflag:$0x1] =	stream.linear.gather [hbm4b:s2+s3], $0x1000, $0x38;
	[tilespmem:$0x10000] =	vst v63  }
0x2b: {  	s20 =	simm.s32 $0x1;
	[dreg:$0x18] =	wrdreg s19;
	s19 =	simm.s32 $0xF000  }
0x2c: {  	[tilespmem:s19], [sflag:$0x1] =	stream.linear.gather [hbm4b:s2+s3], $0x1000, $0x38;
	[tilespmem:$0x10000] =	vst v63  }
0x2d: {  	_ =	swait.ge [sflag:s20], $0x1000  }
0x2e: {  	[sflag:s20] =	ssyncset.done $0x0  }
0x2f: {  	[sflag:s20] =	ssyncadd.s32 $0xFFFFF000  }
0x30: {  	_ =	swait.ge [sflag:s20], $0x1000  }
0x31: {  	[sflag:s20] =	ssyncset.done $0x0  }
0x32: {  	[sflag:s20] =	ssyncadd.s32 $0xFFFFF000  }
0x33: {  	_ =	swait.ge [sflag:s20], $0x1000  }
0x34: {  	[sflag:s20] =	ssyncset.done $0x0  }
0x35: {  	[sflag:s20] =	ssyncadd.s32 $0xFFFFF000  }
0x36: {  	_ =	swait.ge [sflag:s20], $0x1000  }
0x37: {  	[sflag:s20] =	ssyncset.done $0x0  }
0x38: {  	[sflag:s20] =	ssyncadd.s32 $0xFFFFF000  }
0x39: {  	_ =	swait.ge [sflag:s20], $0x1000  }
0x3a: {  	[sflag:s20] =	ssyncset.done $0x0  }
0x3b: {  	[sflag:s20] =	ssyncadd.s32 $0xFFFFF000  }
0x3c: {  	_ =	swait.ge [sflag:s20], $0x1000  }
0x3d: {  	[sflag:s20] =	ssyncset.done $0x0  }
0x3e: {  	[sflag:s20] =	ssyncadd.s32 $0xFFFFF000  }
0x3f: {  	_ =	swait.ge [sflag:s20], $0x1000  }
0x40: {  	[sflag:s20] =	ssyncset.done $0x0  }
0x41: {  	[sflag:s20] =	ssyncadd.s32 $0xFFFFF000  }
0x42: {  	_ =	swait.ge [sflag:s20], $0x1000  }
0x43: {  	[sflag:s20] =	ssyncset.done $0x0  }
0x44: {  	[sflag:s20] =	ssyncadd.s32 $0xFFFFF000  }
0x45: {  	_ =	swait.ge [sflag:s20], $0x1000  }
0x46: {  	[sflag:s20] =	ssyncset.done $0x0  }
0x47: {  	[sflag:s20] =	ssyncadd.s32 $0xFFFFF000  }
0x48: {  	_ =	swait.ge [sflag:s20], $0x1000  }
0x49: {  	[sflag:s20] =	ssyncset.done $0x0  }
0x4a: {  	[sflag:s20] =	ssyncadd.s32 $0xFFFFF000  }
0x4b: {  	_ =	swait.ge [sflag:s20], $0x1000  }
0x4c: {  	[sflag:s20] =	ssyncset.done $0x0  }
0x4d: {  	[sflag:s20] =	ssyncadd.s32 $0xFFFFF000  }
0x4e: {  	_ =	swait.ge [sflag:s20], $0x1000  }
0x4f: {  	[sflag:s20] =	ssyncset.done $0x0  }
0x50: {  	[sflag:s20] =	ssyncadd.s32 $0xFFFFF000  }
0x51: {  	_ =	swait.ge [sflag:s20], $0x1000  }
0x52: {  	[sflag:s20] =	ssyncset.done $0x0  }
0x53: {  	[sflag:s20] =	ssyncadd.s32 $0xFFFFF000  }
0x54: {  	_ =	swait.ge [sflag:s20], $0x1000  }
0x55: {  	[sflag:s20] =	ssyncset.done $0x0  }
0x56: {  	[sflag:s20] =	ssyncadd.s32 $0xFFFFF000  }
0x57: {  	_ =	swait.ge [sflag:s20], $0x1000  }
0x58: {  	[sflag:s20] =	ssyncset.done $0x0  }
0x59: {  	[sflag:s20] =	ssyncadd.s32 $0xFFFFF000  }
0x5a: {  	_ =	swait.ge [sflag:s20], $0x1000  }
0x5b: {  	[sflag:s20] =	ssyncset.done $0x0  }
0x5c: {  	[sflag:s20] =	ssyncadd.s32 $0xFFFFF000  }
0x5d: {  	[hbm4b:s4+s3] =	stream.linear.scatter [tilespmem:s3], [sflag:$0x2], $0x10000, $0x38;
	[tilespmem:$0x10000] =	vst v63  }
0x5e: {  	s21 =	rddreg [dreg:$0x3]  }
0x5f: {  	[hbm4b:s21+s3] =	stream.linear.scatter [tilespmem:s3], [sflag:$0x2], $0x10000, $0x38;
	[tilespmem:$0x10000] =	vst v63  }
0x60: {  	s22 =	rddreg [dreg:$0x4]  }
0x61: {  	[hbm4b:s22+s3] =	stream.linear.scatter [tilespmem:s3], [sflag:$0x2], $0x10000, $0x38;
	[tilespmem:$0x10000] =	vst v63  }
0x62: {  	s26 =	rddreg [dreg:$0x5]  }
0x63: {  	[hbm4b:s26+s3] =	stream.linear.scatter [tilespmem:s3], [sflag:$0x2], $0x10000, $0x38;
	[tilespmem:$0x10000] =	vst v63  }
0x64: {  	s0 =	rddreg [dreg:$0x6]  }
0x65: {  	[hbm4b:s0+s3] =	stream.linear.scatter [tilespmem:s3], [sflag:$0x2], $0x10000, $0x38;
	[tilespmem:$0x10000] =	vst v63  }
0x66: {  	s5 =	rddreg [dreg:$0x7]  }
0x67: {  	[hbm4b:s5+s3] =	stream.linear.scatter [tilespmem:s3], [sflag:$0x2], $0x10000, $0x38;
	[tilespmem:$0x10000] =	vst v63  }
0x68: {  	s23 =	rddreg [dreg:$0x8]  }
0x69: {  	[hbm4b:s23+s3] =	stream.linear.scatter [tilespmem:s3], [sflag:$0x2], $0x10000, $0x38;
	[tilespmem:$0x10000] =	vst v63  }
0x6a: {  	s24 =	rddreg [dreg:$0x9]  }
0x6b: {  	[hbm4b:s24+s3] =	stream.linear.scatter [tilespmem:s3], [sflag:$0x2], $0x10000, $0x38;
	[tilespmem:$0x10000] =	vst v63  }
0x6c: {  	s25 =	rddreg [dreg:$0xa]  }
0x6d: {  	[hbm4b:s25+s3] =	stream.linear.scatter [tilespmem:s3], [sflag:$0x2], $0x10000, $0x38;
	[tilespmem:$0x10000] =	vst v63  }
0x6e: {  	s26 =	rddreg [dreg:$0xb]  }
0x6f: {  	[hbm4b:s26+s3] =	stream.linear.scatter [tilespmem:s3], [sflag:$0x2], $0x10000, $0x38;
	[tilespmem:$0x10000] =	vst v63  }
0x70: {  	s0 =	rddreg [dreg:$0xc]  }
0x71: {  	[hbm4b:s0+s3] =	stream.linear.scatter [tilespmem:s3], [sflag:$0x2], $0x10000, $0x38;
	[tilespmem:$0x10000] =	vst v63  }
0x72: {  	s5 =	rddreg [dreg:$0xd]  }
0x73: {  	[hbm4b:s5+s3] =	stream.linear.scatter [tilespmem:s3], [sflag:$0x2], $0x10000, $0x38;
	[tilespmem:$0x10000] =	vst v63  }
0x74: {  	s23 =	rddreg [dreg:$0xe]  }
0x75: {  	[hbm4b:s23+s3] =	stream.linear.scatter [tilespmem:s3], [sflag:$0x2], $0x10000, $0x38;
	[tilespmem:$0x10000] =	vst v63  }
0x76: {  	s24 =	rddreg [dreg:$0xf]  }
0x77: {  	[hbm4b:s24+s3] =	stream.linear.scatter [tilespmem:s3], [sflag:$0x2], $0x10000, $0x38;
	[tilespmem:$0x10000] =	vst v63  }
0x78: {  	s25 =	rddreg [dreg:$0x10]  }
0x79: {  	[hbm4b:s25+s3] =	stream.linear.scatter [tilespmem:s3], [sflag:$0x2], $0x10000, $0x38;
	[tilespmem:$0x10000] =	vst v63  }
0x7a: {  	s26 =	rddreg [dreg:$0x11]  }
0x7b: {  	[hbm4b:s26+s3] =	stream.linear.scatter [tilespmem:s3], [sflag:$0x2], $0x10000, $0x38;
	[tilespmem:$0x10000] =	vst v63  }
0x7c: {  	s0 =	rddreg [dreg:$0x12]  }
0x7d: {  	[hbm4b:s0+s3] =	stream.linear.scatter [tilespmem:s3], [sflag:$0x2], $0x10000, $0x38;
	[tilespmem:$0x10000] =	vst v63  }
0x7e: {  	s5 =	rddreg [dreg:$0x13]  }
0x7f: {  	[hbm4b:s5+s3] =	stream.linear.scatter [tilespmem:s3], [sflag:$0x2], $0x10000, $0x38;
	[tilespmem:$0x10000] =	vst v63  }
0x80: {  	s23 =	rddreg [dreg:$0x14]  }
0x81: {  	[hbm4b:s23+s3] =	stream.linear.scatter [tilespmem:s3], [sflag:$0x2], $0x10000, $0x38;
	[tilespmem:$0x10000] =	vst v63  }
0x82: {  	s24 =	rddreg [dreg:$0x15]  }
0x83: {  	[hbm4b:s24+s3] =	stream.linear.scatter [tilespmem:s3], [sflag:$0x2], $0x10000, $0x38;
	[tilespmem:$0x10000] =	vst v63  }
0x84: {  	s25 =	rddreg [dreg:$0x16]  }
0x85: {  	[hbm4b:s25+s3] =	stream.linear.scatter [tilespmem:s3], [sflag:$0x2], $0x10000, $0x38;
	[tilespmem:$0x10000] =	vst v63  }
0x86: {  	s26 =	rddreg [dreg:$0x17]  }
0x87: {  	[hbm4b:s26+s3] =	stream.linear.scatter [tilespmem:s3], [sflag:$0x2], $0x10000, $0x38;
	[tilespmem:$0x10000] =	vst v63  }
0x88: {  	s0 =	rddreg [dreg:$0x18]  }
0x89: {  	[hbm4b:s0+s3] =	stream.linear.scatter [tilespmem:s3], [sflag:$0x2], $0x10000, $0x38;
	[tilespmem:$0x10000] =	vst v63  }
0x8a: {  	s21 =	sadd.s32 $0x2E000, s4  }
0x8b: {  	[hbm4b:s21+s3] =	stream.linear.scatter [tilespmem:s3], [sflag:$0x2], $0x10000, $0x38;
	[tilespmem:$0x10000] =	vst v63  }
0x8c: {  	s22 =	sadd.s32 $0x30000, s4  }
0x8d: {  	[hbm4b:s22+s3] =	stream.linear.scatter [tilespmem:s3], [sflag:$0x2], $0x10000, $0x38;
	[tilespmem:$0x10000] =	vst v63  }
0x8e: {  	s23 =	sadd.s32 $0x32000, s4  }
0x8f: {  	[hbm4b:s23+s3] =	stream.linear.scatter [tilespmem:s3], [sflag:$0x2], $0x10000, $0x38;
	[tilespmem:$0x10000] =	vst v63  }
0x90: {  	s24 =	sadd.s32 $0x34000, s4  }
0x91: {  	[hbm4b:s24+s3] =	stream.linear.scatter [tilespmem:s3], [sflag:$0x2], $0x10000, $0x38;
	[tilespmem:$0x10000] =	vst v63  }
0x92: {  	s25 =	sadd.s32 $0x36000, s4  }
0x93: {  	[hbm4b:s25+s3] =	stream.linear.scatter [tilespmem:s3], [sflag:$0x2], $0x10000, $0x38;
	[tilespmem:$0x10000] =	vst v63  }
0x94: {  	s26 =	sadd.s32 $0x38000, s4  }
0x95: {  	[hbm4b:s26+s3] =	stream.linear.scatter [tilespmem:s3], [sflag:$0x2], $0x10000, $0x38;
	[tilespmem:$0x10000] =	vst v63  }
0x96: {  	s28 =	sadd.s32 $0x3A000, s4  }
0x97: {  	[hbm4b:s28+s3] =	stream.linear.scatter [tilespmem:s3], [sflag:$0x2], $0x10000, $0x38;
	[tilespmem:$0x10000] =	vst v63  }
0x98: {  	s29 =	sadd.s32 $0x3C000, s4  }
0x99: {  	[hbm4b:s29+s3] =	stream.linear.scatter [tilespmem:s3], [sflag:$0x2], $0x10000, $0x38;
	[tilespmem:$0x10000] =	vst v63  }
0x9a: {  	s31 =	simm.s32 $0x2;
	s30 =	sadd.s32 $0x3E000, s4  }
0x9b: {  	[hbm4b:s30+s3] =	stream.linear.scatter [tilespmem:s3], [sflag:$0x2], $0x10000, $0x38;
	[tilespmem:$0x10000] =	vst v63  }
0x9c: {  	_ =	swait.ge [sflag:s31], $0x10000  }
0x9d: {  	[sflag:s31] =	ssyncset.done $0x0  }
0x9e: {  	[sflag:s31] =	ssyncadd.s32 $0xFFFF0000  }
0x9f: {  	_ =	swait.ge [sflag:s31], $0x10000  }
0xa0: {  	[sflag:s31] =	ssyncset.done $0x0  }
0xa1: {  	[sflag:s31] =	ssyncadd.s32 $0xFFFF0000  }
0xa2: {  	_ =	swait.ge [sflag:s31], $0x10000  }
0xa3: {  	[sflag:s31] =	ssyncset.done $0x0  }
0xa4: {  	[sflag:s31] =	ssyncadd.s32 $0xFFFF0000  }
0xa5: {  	_ =	swait.ge [sflag:s31], $0x10000  }
0xa6: {  	[sflag:s31] =	ssyncset.done $0x0  }
0xa7: {  	[sflag:s31] =	ssyncadd.s32 $0xFFFF0000  }
0xa8: {  	_ =	swait.ge [sflag:s31], $0x10000  }
0xa9: {  	[sflag:s31] =	ssyncset.done $0x0  }
0xaa: {  	[sflag:s31] =	ssyncadd.s32 $0xFFFF0000  }
0xab: {  	_ =	swait.ge [sflag:s31], $0x10000  }
0xac: {  	[sflag:s31] =	ssyncset.done $0x0  }
0xad: {  	[sflag:s31] =	ssyncadd.s32 $0xFFFF0000  }
0xae: {  	_ =	swait.ge [sflag:s31], $0x10000  }
0xaf: {  	[sflag:s31] =	ssyncset.done $0x0  }
0xb0: {  	[sflag:s31] =	ssyncadd.s32 $0xFFFF0000  }
0xb1: {  	_ =	swait.ge [sflag:s31], $0x10000  }
0xb2: {  	[sflag:s31] =	ssyncset.done $0x0  }
0xb3: {  	[sflag:s31] =	ssyncadd.s32 $0xFFFF0000  }
0xb4: {  	_ =	swait.ge [sflag:s31], $0x10000  }
0xb5: {  	[sflag:s31] =	ssyncset.done $0x0  }
0xb6: {  	[sflag:s31] =	ssyncadd.s32 $0xFFFF0000  }
0xb7: {  	_ =	swait.ge [sflag:s31], $0x10000  }
0xb8: {  	[sflag:s31] =	ssyncset.done $0x0  }
0xb9: {  	[sflag:s31] =	ssyncadd.s32 $0xFFFF0000  }
0xba: {  	_ =	swait.ge [sflag:s31], $0x10000  }
0xbb: {  	[sflag:s31] =	ssyncset.done $0x0  }
0xbc: {  	[sflag:s31] =	ssyncadd.s32 $0xFFFF0000  }
0xbd: {  	_ =	swait.ge [sflag:s31], $0x10000  }
0xbe: {  	[sflag:s31] =	ssyncset.done $0x0  }
0xbf: {  	[sflag:s31] =	ssyncadd.s32 $0xFFFF0000  }
0xc0: {  	_ =	swait.ge [sflag:s31], $0x10000  }
0xc1: {  	[sflag:s31] =	ssyncset.done $0x0  }
0xc2: {  	[sflag:s31] =	ssyncadd.s32 $0xFFFF0000  }
0xc3: {  	_ =	swait.ge [sflag:s31], $0x10000  }
0xc4: {  	[sflag:s31] =	ssyncset.done $0x0  }
0xc5: {  	[sflag:s31] =	ssyncadd.s32 $0xFFFF0000  }
0xc6: {  	_ =	swait.ge [sflag:s31], $0x10000  }
0xc7: {  	[sflag:s31] =	ssyncset.done $0x0  }
0xc8: {  	[sflag:s31] =	ssyncadd.s32 $0xFFFF0000  }
0xc9: {  	_ =	swait.ge [sflag:s31], $0x10000  }
0xca: {  	[sflag:s31] =	ssyncset.done $0x0  }
0xcb: {  	[sflag:s31] =	ssyncadd.s32 $0xFFFF0000  }
0xcc: {  	_ =	swait.ge [sflag:s31], $0x10000  }
0xcd: {  	[sflag:s31] =	ssyncset.done $0x0  }
0xce: {  	[sflag:s31] =	ssyncadd.s32 $0xFFFF0000  }
0xcf: {  	_ =	swait.ge [sflag:s31], $0x10000  }
0xd0: {  	[sflag:s31] =	ssyncset.done $0x0  }
0xd1: {  	[sflag:s31] =	ssyncadd.s32 $0xFFFF0000  }
0xd2: {  	_ =	swait.ge [sflag:s31], $0x10000  }
0xd3: {  	[sflag:s31] =	ssyncset.done $0x0  }
0xd4: {  	[sflag:s31] =	ssyncadd.s32 $0xFFFF0000  }
0xd5: {  	_ =	swait.ge [sflag:s31], $0x10000  }
0xd6: {  	[sflag:s31] =	ssyncset.done $0x0  }
0xd7: {  	[sflag:s31] =	ssyncadd.s32 $0xFFFF0000  }
0xd8: {  	_ =	swait.ge [sflag:s31], $0x10000  }
0xd9: {  	[sflag:s31] =	ssyncset.done $0x0  }
0xda: {  	[sflag:s31] =	ssyncadd.s32 $0xFFFF0000  }
0xdb: {  	_ =	swait.ge [sflag:s31], $0x10000  }
0xdc: {  	[sflag:s31] =	ssyncset.done $0x0  }
0xdd: {  	[sflag:s31] =	ssyncadd.s32 $0xFFFF0000  }
0xde: {  	_ =	swait.ge [sflag:s31], $0x10000  }
0xdf: {  	[sflag:s31] =	ssyncset.done $0x0  }
0xe0: {  	[sflag:s31] =	ssyncadd.s32 $0xFFFF0000  }
0xe1: {  	_ =	swait.ge [sflag:s31], $0x10000  }
0xe2: {  	[sflag:s31] =	ssyncset.done $0x0  }
0xe3: {  	[sflag:s31] =	ssyncadd.s32 $0xFFFF0000  }
0xe4: {  	_ =	swait.ge [sflag:s31], $0x10000  }
0xe5: {  	[sflag:s31] =	ssyncset.done $0x0  }
0xe6: {  	[sflag:s31] =	ssyncadd.s32 $0xFFFF0000  }
0xe7: {  	_ =	swait.ge [sflag:s31], $0x10000  }
0xe8: {  	[sflag:s31] =	ssyncset.done $0x0  }
0xe9: {  	[sflag:s31] =	ssyncadd.s32 $0xFFFF0000  }
0xea: {  	_ =	swait.ge [sflag:s31], $0x10000  }
0xeb: {  	[sflag:s31] =	ssyncset.done $0x0  }
0xec: {  	[sflag:s31] =	ssyncadd.s32 $0xFFFF0000  }
0xed: {  	_ =	swait.ge [sflag:s31], $0x10000  }
0xee: {  	[sflag:s31] =	ssyncset.done $0x0  }
0xef: {  	[sflag:s31] =	ssyncadd.s32 $0xFFFF0000  }
0xf0: {  	_ =	swait.ge [sflag:s31], $0x10000  }
0xf1: {  	s1 =	ssub.s32 $0x2, s1;
	[sflag:s31] =	ssyncset.done $0x0  }
0xf2: {  	s5 =	sshrl.u32 s1, $0x1;
	[sflag:s31] =	ssyncadd.s32 $0xFFFF0000  }
0xf3: {  	s0 =	ssub.s32 s1, s5;
	_ =	swait.ge [sflag:s31], $0x10000  }
0xf4: {  	s0 =	smax.u32 s0, $0x1;
	[sflag:s31] =	ssyncset.done $0x0  }
0xf5: {  	p0 =	sne.s32 s0, $0x1;
	[sflag:s31] =	ssyncadd.s32 $0xFFFF0000  }
.Ltmp0:
0xf6: {  	_ =	swait.ge [sflag:s31], $0x10000;
	(pc) =	sbr.rel @!p0 .LBB2_2-.Ltmp0, $4  }
0xf7: {  	[sflag:s31] =	ssyncset.done $0x0  }
0xf8: {  	[sflag:s31] =	ssyncadd.s32 $0xFFFF0000  }
0xf9: {  	_ =	swait.ge [sflag:s31], $0x10000  }
0xfa: {  	s1 =	sadd.s32 $0xFFFFFFFF, s0;
	[sflag:s31] =	ssyncset.done $0x0  }
.LBB2_1:
0xfb: {  	[sflag:s31] =	ssyncadd.s32 $0xFFFF0000  }
0xfc: {  	[tilespmem:s3], [sflag:$0x1] =	stream.linear.gather [hbm4b:s2+s3], $0x1000, $0x38;
	[tilespmem:$0x10000] =	vst v63  }
0xfd: {  	s0 =	simm.s32 $0x1000  }
0xfe: {  	[tilespmem:s0], [sflag:$0x1] =	stream.linear.gather [hbm4b:s2+s3], $0x1000, $0x38;
	[tilespmem:$0x10000] =	vst v63  }
0xff: {  	_ = 	snop  }
0x100: {  	[tilespmem:s6], [sflag:$0x1] =	stream.linear.gather [hbm4b:s2+s3], $0x1000, $0x38;
	[tilespmem:$0x10000] =	vst v63  }
0x101: {  	_ = 	snop  }
0x102: {  	[tilespmem:s7], [sflag:$0x1] =	stream.linear.gather [hbm4b:s2+s3], $0x1000, $0x38;
	[tilespmem:$0x10000] =	vst v63  }
0x103: {  	_ = 	snop  }
0x104: {  	[tilespmem:s8], [sflag:$0x1] =	stream.linear.gather [hbm4b:s2+s3], $0x1000, $0x38;
	[tilespmem:$0x10000] =	vst v63  }
0x105: {  	_ = 	snop  }
0x106: {  	[tilespmem:s9], [sflag:$0x1] =	stream.linear.gather [hbm4b:s2+s3], $0x1000, $0x38;
	[tilespmem:$0x10000] =	vst v63  }
0x107: {  	_ = 	snop  }
0x108: {  	[tilespmem:s10], [sflag:$0x1] =	stream.linear.gather [hbm4b:s2+s3], $0x1000, $0x38;
	[tilespmem:$0x10000] =	vst v63  }
0x109: {  	_ = 	snop  }
0x10a: {  	[tilespmem:s11], [sflag:$0x1] =	stream.linear.gather [hbm4b:s2+s3], $0x1000, $0x38;
	[tilespmem:$0x10000] =	vst v63  }
0x10b: {  	_ = 	snop  }
0x10c: {  	[tilespmem:s12], [sflag:$0x1] =	stream.linear.gather [hbm4b:s2+s3], $0x1000, $0x38;
	[tilespmem:$0x10000] =	vst v63  }
0x10d: {  	_ = 	snop  }
0x10e: {  	[tilespmem:s13], [sflag:$0x1] =	stream.linear.gather [hbm4b:s2+s3], $0x1000, $0x38;
	[tilespmem:$0x10000] =	vst v63  }
0x10f: {  	_ = 	snop  }
0x110: {  	[tilespmem:s14], [sflag:$0x1] =	stream.linear.gather [hbm4b:s2+s3], $0x1000, $0x38;
	[tilespmem:$0x10000] =	vst v63  }
0x111: {  	_ = 	snop  }
0x112: {  	[tilespmem:s15], [sflag:$0x1] =	stream.linear.gather [hbm4b:s2+s3], $0x1000, $0x38;
	[tilespmem:$0x10000] =	vst v63  }
0x113: {  	_ = 	snop  }
0x114: {  	[tilespmem:s16], [sflag:$0x1] =	stream.linear.gather [hbm4b:s2+s3], $0x1000, $0x38;
	[tilespmem:$0x10000] =	vst v63  }
0x115: {  	_ = 	snop  }
0x116: {  	[tilespmem:s17], [sflag:$0x1] =	stream.linear.gather [hbm4b:s2+s3], $0x1000, $0x38;
	[tilespmem:$0x10000] =	vst v63  }
0x117: {  	_ = 	snop  }
0x118: {  	[tilespmem:s18], [sflag:$0x1] =	stream.linear.gather [hbm4b:s2+s3], $0x1000, $0x38;
	[tilespmem:$0x10000] =	vst v63  }
0x119: {  	_ = 	snop  }
0x11a: {  	[tilespmem:s19], [sflag:$0x1] =	stream.linear.gather [hbm4b:s2+s3], $0x1000, $0x38;
	[tilespmem:$0x10000] =	vst v63  }
0x11b: {  	_ =	swait.ge [sflag:s20], $0x1000  }
0x11c: {  	[sflag:s20] =	ssyncset.done $0x0  }
0x11d: {  	[sflag:s20] =	ssyncadd.s32 $0xFFFFF000  }
0x11e: {  	_ =	swait.ge [sflag:s20], $0x1000  }
0x11f: {  	[sflag:s20] =	ssyncset.done $0x0  }
0x120: {  	[sflag:s20] =	ssyncadd.s32 $0xFFFFF000  }
0x121: {  	_ =	swait.ge [sflag:s20], $0x1000  }
0x122: {  	[sflag:s20] =	ssyncset.done $0x0  }
0x123: {  	[sflag:s20] =	ssyncadd.s32 $0xFFFFF000  }
0x124: {  	_ =	swait.ge [sflag:s20], $0x1000  }
0x125: {  	[sflag:s20] =	ssyncset.done $0x0  }
0x126: {  	[sflag:s20] =	ssyncadd.s32 $0xFFFFF000  }
0x127: {  	_ =	swait.ge [sflag:s20], $0x1000  }
0x128: {  	[sflag:s20] =	ssyncset.done $0x0  }
0x129: {  	[sflag:s20] =	ssyncadd.s32 $0xFFFFF000  }
0x12a: {  	_ =	swait.ge [sflag:s20], $0x1000  }
0x12b: {  	[sflag:s20] =	ssyncset.done $0x0  }
0x12c: {  	[sflag:s20] =	ssyncadd.s32 $0xFFFFF000  }
0x12d: {  	_ =	swait.ge [sflag:s20], $0x1000  }
0x12e: {  	[sflag:s20] =	ssyncset.done $0x0  }
0x12f: {  	[sflag:s20] =	ssyncadd.s32 $0xFFFFF000  }
0x130: {  	_ =	swait.ge [sflag:s20], $0x1000  }
0x131: {  	[sflag:s20] =	ssyncset.done $0x0  }
0x132: {  	[sflag:s20] =	ssyncadd.s32 $0xFFFFF000  }
0x133: {  	_ =	swait.ge [sflag:s20], $0x1000  }
0x134: {  	[sflag:s20] =	ssyncset.done $0x0  }
0x135: {  	[sflag:s20] =	ssyncadd.s32 $0xFFFFF000  }
0x136: {  	_ =	swait.ge [sflag:s20], $0x1000  }
0x137: {  	[sflag:s20] =	ssyncset.done $0x0  }
0x138: {  	[sflag:s20] =	ssyncadd.s32 $0xFFFFF000  }
0x139: {  	_ =	swait.ge [sflag:s20], $0x1000  }
0x13a: {  	[sflag:s20] =	ssyncset.done $0x0  }
0x13b: {  	[sflag:s20] =	ssyncadd.s32 $0xFFFFF000  }
0x13c: {  	_ =	swait.ge [sflag:s20], $0x1000  }
0x13d: {  	[sflag:s20] =	ssyncset.done $0x0  }
0x13e: {  	[sflag:s20] =	ssyncadd.s32 $0xFFFFF000  }
0x13f: {  	_ =	swait.ge [sflag:s20], $0x1000  }
0x140: {  	[sflag:s20] =	ssyncset.done $0x0  }
0x141: {  	[sflag:s20] =	ssyncadd.s32 $0xFFFFF000  }
0x142: {  	_ =	swait.ge [sflag:s20], $0x1000  }
0x143: {  	[sflag:s20] =	ssyncset.done $0x0  }
0x144: {  	[sflag:s20] =	ssyncadd.s32 $0xFFFFF000  }
0x145: {  	_ =	swait.ge [sflag:s20], $0x1000  }
0x146: {  	[sflag:s20] =	ssyncset.done $0x0  }
0x147: {  	[sflag:s20] =	ssyncadd.s32 $0xFFFFF000  }
0x148: {  	_ =	swait.ge [sflag:s20], $0x1000  }
0x149: {  	[sflag:s20] =	ssyncset.done $0x0  }
0x14a: {  	[sflag:s20] =	ssyncadd.s32 $0xFFFFF000  }
0x14b: {  	[hbm4b:s4+s3] =	stream.linear.scatter [tilespmem:s3], [sflag:$0x2], $0x10000, $0x38;
	[tilespmem:$0x10000] =	vst v63  }
0x14c: {  	s0 =	rddreg [dreg:$0x3]  }
0x14d: {  	[hbm4b:s0+s3] =	stream.linear.scatter [tilespmem:s3], [sflag:$0x2], $0x10000, $0x38;
	[tilespmem:$0x10000] =	vst v63  }
0x14e: {  	s5 =	rddreg [dreg:$0x4]  }
0x14f: {  	[hbm4b:s5+s3] =	stream.linear.scatter [tilespmem:s3], [sflag:$0x2], $0x10000, $0x38;
	[tilespmem:$0x10000] =	vst v63  }
0x150: {  	s0 =	rddreg [dreg:$0x5]  }
0x151: {  	[hbm4b:s0+s3] =	stream.linear.scatter [tilespmem:s3], [sflag:$0x2], $0x10000, $0x38;
	[tilespmem:$0x10000] =	vst v63  }
0x152: {  	s5 =	rddreg [dreg:$0x6]  }
0x153: {  	[hbm4b:s5+s3] =	stream.linear.scatter [tilespmem:s3], [sflag:$0x2], $0x10000, $0x38;
	[tilespmem:$0x10000] =	vst v63  }
0x154: {  	s0 =	rddreg [dreg:$0x7]  }
0x155: {  	[hbm4b:s0+s3] =	stream.linear.scatter [tilespmem:s3], [sflag:$0x2], $0x10000, $0x38;
	[tilespmem:$0x10000] =	vst v63  }
0x156: {  	s5 =	rddreg [dreg:$0x8]  }
0x157: {  	[hbm4b:s5+s3] =	stream.linear.scatter [tilespmem:s3], [sflag:$0x2], $0x10000, $0x38;
	[tilespmem:$0x10000] =	vst v63  }
0x158: {  	s0 =	rddreg [dreg:$0x9]  }
0x159: {  	[hbm4b:s0+s3] =	stream.linear.scatter [tilespmem:s3], [sflag:$0x2], $0x10000, $0x38;
	[tilespmem:$0x10000] =	vst v63  }
0x15a: {  	s5 =	rddreg [dreg:$0xa]  }
0x15b: {  	[hbm4b:s5+s3] =	stream.linear.scatter [tilespmem:s3], [sflag:$0x2], $0x10000, $0x38;
	[tilespmem:$0x10000] =	vst v63  }
0x15c: {  	s0 =	rddreg [dreg:$0xb]  }
0x15d: {  	[hbm4b:s0+s3] =	stream.linear.scatter [tilespmem:s3], [sflag:$0x2], $0x10000, $0x38;
	[tilespmem:$0x10000] =	vst v63  }
0x15e: {  	s5 =	rddreg [dreg:$0xc]  }
0x15f: {  	[hbm4b:s5+s3] =	stream.linear.scatter [tilespmem:s3], [sflag:$0x2], $0x10000, $0x38;
	[tilespmem:$0x10000] =	vst v63  }
0x160: {  	s0 =	rddreg [dreg:$0xd]  }
0x161: {  	[hbm4b:s0+s3] =	stream.linear.scatter [tilespmem:s3], [sflag:$0x2], $0x10000, $0x38;
	[tilespmem:$0x10000] =	vst v63  }
0x162: {  	s5 =	rddreg [dreg:$0xe]  }
0x163: {  	[hbm4b:s5+s3] =	stream.linear.scatter [tilespmem:s3], [sflag:$0x2], $0x10000, $0x38;
	[tilespmem:$0x10000] =	vst v63  }
0x164: {  	s0 =	rddreg [dreg:$0xf]  }
0x165: {  	[hbm4b:s0+s3] =	stream.linear.scatter [tilespmem:s3], [sflag:$0x2], $0x10000, $0x38;
	[tilespmem:$0x10000] =	vst v63  }
0x166: {  	s5 =	rddreg [dreg:$0x10]  }
0x167: {  	[hbm4b:s5+s3] =	stream.linear.scatter [tilespmem:s3], [sflag:$0x2], $0x10000, $0x38;
	[tilespmem:$0x10000] =	vst v63  }
0x168: {  	s0 =	rddreg [dreg:$0x11]  }
0x169: {  	[hbm4b:s0+s3] =	stream.linear.scatter [tilespmem:s3], [sflag:$0x2], $0x10000, $0x38;
	[tilespmem:$0x10000] =	vst v63  }
0x16a: {  	s5 =	rddreg [dreg:$0x12]  }
0x16b: {  	[hbm4b:s5+s3] =	stream.linear.scatter [tilespmem:s3], [sflag:$0x2], $0x10000, $0x38;
	[tilespmem:$0x10000] =	vst v63  }
0x16c: {  	s0 =	rddreg [dreg:$0x13]  }
0x16d: {  	[hbm4b:s0+s3] =	stream.linear.scatter [tilespmem:s3], [sflag:$0x2], $0x10000, $0x38;
	[tilespmem:$0x10000] =	vst v63  }
0x16e: {  	s5 =	rddreg [dreg:$0x14]  }
0x16f: {  	[hbm4b:s5+s3] =	stream.linear.scatter [tilespmem:s3], [sflag:$0x2], $0x10000, $0x38;
	[tilespmem:$0x10000] =	vst v63  }
0x170: {  	s0 =	rddreg [dreg:$0x15]  }
0x171: {  	[hbm4b:s0+s3] =	stream.linear.scatter [tilespmem:s3], [sflag:$0x2], $0x10000, $0x38;
	[tilespmem:$0x10000] =	vst v63  }
0x172: {  	s5 =	rddreg [dreg:$0x16]  }
0x173: {  	[hbm4b:s5+s3] =	stream.linear.scatter [tilespmem:s3], [sflag:$0x2], $0x10000, $0x38;
	[tilespmem:$0x10000] =	vst v63  }
0x174: {  	s0 =	rddreg [dreg:$0x17]  }
0x175: {  	[hbm4b:s0+s3] =	stream.linear.scatter [tilespmem:s3], [sflag:$0x2], $0x10000, $0x38;
	[tilespmem:$0x10000] =	vst v63  }
0x176: {  	s5 =	rddreg [dreg:$0x18]  }
0x177: {  	[hbm4b:s5+s3] =	stream.linear.scatter [tilespmem:s3], [sflag:$0x2], $0x10000, $0x38;
	[tilespmem:$0x10000] =	vst v63  }
0x178: {  	_ = 	snop  }
0x179: {  	[hbm4b:s21+s3] =	stream.linear.scatter [tilespmem:s3], [sflag:$0x2], $0x10000, $0x38;
	[tilespmem:$0x10000] =	vst v63  }
0x17a: {  	_ = 	snop  }
0x17b: {  	[hbm4b:s22+s3] =	stream.linear.scatter [tilespmem:s3], [sflag:$0x2], $0x10000, $0x38;
	[tilespmem:$0x10000] =	vst v63  }
0x17c: {  	_ = 	snop  }
0x17d: {  	[hbm4b:s23+s3] =	stream.linear.scatter [tilespmem:s3], [sflag:$0x2], $0x10000, $0x38;
	[tilespmem:$0x10000] =	vst v63  }
0x17e: {  	_ = 	snop  }
0x17f: {  	[hbm4b:s24+s3] =	stream.linear.scatter [tilespmem:s3], [sflag:$0x2], $0x10000, $0x38;
	[tilespmem:$0x10000] =	vst v63  }
0x180: {  	_ = 	snop  }
0x181: {  	[hbm4b:s25+s3] =	stream.linear.scatter [tilespmem:s3], [sflag:$0x2], $0x10000, $0x38;
	[tilespmem:$0x10000] =	vst v63  }
0x182: {  	_ = 	snop  }
0x183: {  	[hbm4b:s26+s3] =	stream.linear.scatter [tilespmem:s3], [sflag:$0x2], $0x10000, $0x38;
	[tilespmem:$0x10000] =	vst v63  }
0x184: {  	_ = 	snop  }
0x185: {  	[hbm4b:s28+s3] =	stream.linear.scatter [tilespmem:s3], [sflag:$0x2], $0x10000, $0x38;
	[tilespmem:$0x10000] =	vst v63  }
0x186: {  	_ = 	snop  }
0x187: {  	[hbm4b:s29+s3] =	stream.linear.scatter [tilespmem:s3], [sflag:$0x2], $0x10000, $0x38;
	[tilespmem:$0x10000] =	vst v63  }
0x188: {  	_ = 	snop  }
0x189: {  	[hbm4b:s30+s3] =	stream.linear.scatter [tilespmem:s3], [sflag:$0x2], $0x10000, $0x38;
	[tilespmem:$0x10000] =	vst v63  }
0x18a: {  	_ =	swait.ge [sflag:s31], $0x10000  }
0x18b: {  	[sflag:s31] =	ssyncset.done $0x0  }
0x18c: {  	[sflag:s31] =	ssyncadd.s32 $0xFFFF0000  }
0x18d: {  	_ =	swait.ge [sflag:s31], $0x10000  }
0x18e: {  	[sflag:s31] =	ssyncset.done $0x0  }
0x18f: {  	[sflag:s31] =	ssyncadd.s32 $0xFFFF0000  }
0x190: {  	_ =	swait.ge [sflag:s31], $0x10000  }
0x191: {  	[sflag:s31] =	ssyncset.done $0x0  }
0x192: {  	[sflag:s31] =	ssyncadd.s32 $0xFFFF0000  }
0x193: {  	_ =	swait.ge [sflag:s31], $0x10000  }
0x194: {  	[sflag:s31] =	ssyncset.done $0x0  }
0x195: {  	[sflag:s31] =	ssyncadd.s32 $0xFFFF0000  }
0x196: {  	_ =	swait.ge [sflag:s31], $0x10000  }
0x197: {  	[sflag:s31] =	ssyncset.done $0x0  }
0x198: {  	[sflag:s31] =	ssyncadd.s32 $0xFFFF0000  }
0x199: {  	_ =	swait.ge [sflag:s31], $0x10000  }
0x19a: {  	[sflag:s31] =	ssyncset.done $0x0  }
0x19b: {  	[sflag:s31] =	ssyncadd.s32 $0xFFFF0000  }
0x19c: {  	_ =	swait.ge [sflag:s31], $0x10000  }
0x19d: {  	[sflag:s31] =	ssyncset.done $0x0  }
0x19e: {  	[sflag:s31] =	ssyncadd.s32 $0xFFFF0000  }
0x19f: {  	_ =	swait.ge [sflag:s31], $0x10000  }
0x1a0: {  	[sflag:s31] =	ssyncset.done $0x0  }
0x1a1: {  	[sflag:s31] =	ssyncadd.s32 $0xFFFF0000  }
0x1a2: {  	_ =	swait.ge [sflag:s31], $0x10000  }
0x1a3: {  	[sflag:s31] =	ssyncset.done $0x0  }
0x1a4: {  	[sflag:s31] =	ssyncadd.s32 $0xFFFF0000  }
0x1a5: {  	_ =	swait.ge [sflag:s31], $0x10000  }
0x1a6: {  	[sflag:s31] =	ssyncset.done $0x0  }
0x1a7: {  	[sflag:s31] =	ssyncadd.s32 $0xFFFF0000  }
0x1a8: {  	_ =	swait.ge [sflag:s31], $0x10000  }
0x1a9: {  	[sflag:s31] =	ssyncset.done $0x0  }
0x1aa: {  	[sflag:s31] =	ssyncadd.s32 $0xFFFF0000  }
0x1ab: {  	_ =	swait.ge [sflag:s31], $0x10000  }
0x1ac: {  	[sflag:s31] =	ssyncset.done $0x0  }
0x1ad: {  	[sflag:s31] =	ssyncadd.s32 $0xFFFF0000  }
0x1ae: {  	_ =	swait.ge [sflag:s31], $0x10000  }
0x1af: {  	[sflag:s31] =	ssyncset.done $0x0  }
0x1b0: {  	[sflag:s31] =	ssyncadd.s32 $0xFFFF0000  }
0x1b1: {  	_ =	swait.ge [sflag:s31], $0x10000  }
0x1b2: {  	[sflag:s31] =	ssyncset.done $0x0  }
0x1b3: {  	[sflag:s31] =	ssyncadd.s32 $0xFFFF0000  }
0x1b4: {  	_ =	swait.ge [sflag:s31], $0x10000  }
0x1b5: {  	[sflag:s31] =	ssyncset.done $0x0  }
0x1b6: {  	[sflag:s31] =	ssyncadd.s32 $0xFFFF0000  }
0x1b7: {  	_ =	swait.ge [sflag:s31], $0x10000  }
0x1b8: {  	[sflag:s31] =	ssyncset.done $0x0  }
0x1b9: {  	[sflag:s31] =	ssyncadd.s32 $0xFFFF0000  }
0x1ba: {  	_ =	swait.ge [sflag:s31], $0x10000  }
0x1bb: {  	[sflag:s31] =	ssyncset.done $0x0  }
0x1bc: {  	[sflag:s31] =	ssyncadd.s32 $0xFFFF0000  }
0x1bd: {  	_ =	swait.ge [sflag:s31], $0x10000  }
0x1be: {  	[sflag:s31] =	ssyncset.done $0x0  }
0x1bf: {  	[sflag:s31] =	ssyncadd.s32 $0xFFFF0000  }
0x1c0: {  	_ =	swait.ge [sflag:s31], $0x10000  }
0x1c1: {  	[sflag:s31] =	ssyncset.done $0x0  }
0x1c2: {  	[sflag:s31] =	ssyncadd.s32 $0xFFFF0000  }
0x1c3: {  	_ =	swait.ge [sflag:s31], $0x10000  }
0x1c4: {  	[sflag:s31] =	ssyncset.done $0x0  }
0x1c5: {  	[sflag:s31] =	ssyncadd.s32 $0xFFFF0000  }
0x1c6: {  	_ =	swait.ge [sflag:s31], $0x10000  }
0x1c7: {  	[sflag:s31] =	ssyncset.done $0x0  }
0x1c8: {  	[sflag:s31] =	ssyncadd.s32 $0xFFFF0000  }
0x1c9: {  	_ =	swait.ge [sflag:s31], $0x10000  }
0x1ca: {  	[sflag:s31] =	ssyncset.done $0x0  }
0x1cb: {  	[sflag:s31] =	ssyncadd.s32 $0xFFFF0000  }
0x1cc: {  	_ =	swait.ge [sflag:s31], $0x10000  }
0x1cd: {  	[sflag:s31] =	ssyncset.done $0x0  }
0x1ce: {  	[sflag:s31] =	ssyncadd.s32 $0xFFFF0000  }
0x1cf: {  	_ =	swait.ge [sflag:s31], $0x10000  }
0x1d0: {  	[sflag:s31] =	ssyncset.done $0x0  }
0x1d1: {  	[sflag:s31] =	ssyncadd.s32 $0xFFFF0000  }
0x1d2: {  	_ =	swait.ge [sflag:s31], $0x10000  }
0x1d3: {  	[sflag:s31] =	ssyncset.done $0x0  }
0x1d4: {  	[sflag:s31] =	ssyncadd.s32 $0xFFFF0000  }
0x1d5: {  	_ =	swait.ge [sflag:s31], $0x10000  }
0x1d6: {  	[sflag:s31] =	ssyncset.done $0x0  }
0x1d7: {  	[sflag:s31] =	ssyncadd.s32 $0xFFFF0000  }
0x1d8: {  	_ =	swait.ge [sflag:s31], $0x10000  }
0x1d9: {  	[sflag:s31] =	ssyncset.done $0x0  }
0x1da: {  	[sflag:s31] =	ssyncadd.s32 $0xFFFF0000  }
0x1db: {  	_ =	swait.ge [sflag:s31], $0x10000  }
0x1dc: {  	[sflag:s31] =	ssyncset.done $0x0  }
0x1dd: {  	[sflag:s31] =	ssyncadd.s32 $0xFFFF0000  }
0x1de: {  	_ =	swait.ge [sflag:s31], $0x10000  }
0x1df: {  	[sflag:s31] =	ssyncset.done $0x0  }
0x1e0: {  	[sflag:s31] =	ssyncadd.s32 $0xFFFF0000  }
0x1e1: {  	_ =	swait.ge [sflag:s31], $0x10000  }
0x1e2: {  	[sflag:s31] =	ssyncset.done $0x0  }
0x1e3: {  	p0 =	sne.s32 s1, $0x1;
	[sflag:s31] =	ssyncadd.s32 $0xFFFF0000  }
.Ltmp1:
0x1e4: {  	_ =	swait.ge [sflag:s31], $0x10000;
	(pc) =	sbr.rel @p0 .LBB2_1-.Ltmp1, $4  }
0x1e5: {  	[sflag:s31] =	ssyncset.done $0x0  }
0x1e6: {  	[sflag:s31] =	ssyncadd.s32 $0xFFFF0000  }
0x1e7: {  	_ =	swait.ge [sflag:s31], $0x10000  }
0x1e8: {  	s1 =	sadd.s32 $0xFFFFFFFF, s1;
	[sflag:s31] =	ssyncset.done $0x0  }
.LBB2_2:
0x1e9: {  	[sflag:s31] =	ssyncadd.s32 $0xFFFF0000  }
0x1ea: {  	_ =	sfence.sel $0x180000  }
0x1eb: {  	[bflag:$0x0] =	sbarrier.arrive $0xFFFF  }
0x1ec: {  	_ =	strace $0x90000047  }
0x1ed: {  	s0 =	stileid.u32;
	[bflag:$0x2] =	sbarrier.arrive $0xFFFF  }
0x1ee: {  	p0 =	sne.s32 s0, $0x0;
	s0 =	rddreg [dreg:$0x2]  }
0x1ef: {  	s0 =	sadd.s32 @!p0 $0x100000, s0  }
0x1f0: {  	[sflag:s0] =	ssyncadd.tile.s32 @!p0 $0x1;
	_ =	shalt  }
.Lfunc_end2:
_tile_overlayer_lowered:
.L_overlay_start_2:
0x1f1: {  	(tag) =	ssettag $0x2  }
0x1f2: {  	s0 =	rddreg [dreg:$0x0];
	s2 =	stileid.u32  }
0x1f3: {  	s1 =	rddreg [dreg:$0x1];
	p0 =	sne.s32 s2, $0x0  }
0x1f4: {  	s3 =	rddreg [dreg:$0x2];
	[bflag:$0x3] =	sbarrier.arrive $0xFFFF;
	s2 =	simm.s32 @!p0 $0x1C03  }
0x1f5: {  	[timem:s3], [sflag:s2] =	dma.local @!p0 [hbm:s0], s1  }
0x1f6: {  	s0 =	simm.s32 @!p0 $0x3  }
0x1f7: {  	_ =	swait.ge @!p0 [sflag:s0], s1  }
0x1f8: {  	s1 =	ssub.s32 @!p0 $0x0, s1;
	[sflag:s0] =	ssyncset.done @!p0 $0x0  }
0x1f9: {  	[sflag:s0] =	ssyncadd.s32 @!p0 s1  }
0x1fa: {  	[bflag:$0x3] =	sbarrier.arrive $0xFFFF  }
0x1fb: {  	_ =	shalt  }

</sc_bundles>
